<compile_context>
chip_gen: v7x
topology: tpu7x:2x2x1
jax: 0.10.2.dev20260603
libtpu: 0.0.44.dev20260713+nightly
codegen_flags: <defaults>
</compile_context>

<pallas_src>
import functools

import jax
import jax.numpy as jnp
from jax import lax
from jax.experimental import pallas as pl
from jax.experimental.pallas import tpu as pltpu
from jax.experimental.pallas import tpu_sc as plsc

E = 64
D = 1024
H = 512
N = 2048

NC = 2
NS = 16
NW = NC * NS
CHUNK = N // NW

BT = 64
EB = 4


def _gelu_exact(v):
    return 0.5 * v * (1.0 + lax.erf(v * 0.7071067811865476))


def _dot_t(a, b):
    return lax.dot_general(a, b, (((1,), (1,)), ((), ())),
                           preferred_element_type=jnp.float32)


def _routing_body(x_ref, gw_ref, gb_ref, pos_ref, off_ref):
    logits = _dot_t(x_ref[...], gw_ref[...]) + gb_ref[...]
    maxv = jnp.max(logits, axis=1, keepdims=True)
    ecol = lax.broadcasted_iota(jnp.int32, (N, E), 1)
    eid = jnp.min(jnp.where(logits == maxv, ecol, E), axis=1, keepdims=True)
    oh = (ecol == eid).astype(jnp.int32)

    c = oh
    s = 1
    while s < N:
        c = c + jnp.concatenate(
            [jnp.zeros((s, E), jnp.int32), c[: N - s]], axis=0)
        s *= 2
    rank = c - oh

    counts = jnp.sum(oh.astype(jnp.float32), axis=0, keepdims=True)
    ia = lax.broadcasted_iota(jnp.int32, (E, E), 0)
    ib = lax.broadcasted_iota(jnp.int32, (E, E), 1)
    ltf = (ia < ib).astype(jnp.float32)
    off = jnp.dot(counts, ltf,
                  preferred_element_type=jnp.float32).astype(jnp.int32)

    pos = jnp.sum(oh * (rank + off), axis=1, keepdims=True)
    pos_ref[...] = pos
    off_ref[...] = off


def _routing(x, gate_W, gate_b2d):
    return pl.pallas_call(
        _routing_body,
        out_shape=(
            jax.ShapeDtypeStruct((N, 1), jnp.int32),
            jax.ShapeDtypeStruct((1, E), jnp.int32),
        ),
    )(x, gate_W, gate_b2d)


HB = CHUNK // 2


@functools.lru_cache(maxsize=1)
def _sc_kernels():
    mesh = plsc.VectorSubcoreMesh(core_axis_name="c", subcore_axis_name="s")
    scratch = [
        pltpu.VMEM((2, HB), jnp.int32),
        pltpu.VMEM((HB, D), jnp.float32),
        pltpu.VMEM((HB, D), jnp.float32),
        pltpu.SemaphoreType.DMA,
        pltpu.SemaphoreType.DMA,
        pltpu.SemaphoreType.DMA,
        pltpu.SemaphoreType.DMA,
    ]

    @functools.partial(
        pl.kernel,
        out_type=jax.ShapeDtypeStruct((N, D), jnp.float32),
        mesh=mesh,
        scratch_types=scratch,
    )
    def sc_scatter(x_hbm, pos_hbm, out_hbm, idx2, buf0, buf1, s0, s1, s2, s3):
        wid = lax.axis_index("s") * NC + lax.axis_index("c")
        base = wid * CHUNK
        pltpu.sync_copy(pos_hbm.at[pl.ds(base, HB)], idx2.at[0])
        pltpu.sync_copy(pos_hbm.at[pl.ds(base + HB, HB)], idx2.at[1])
        ld0 = pltpu.async_copy(x_hbm.at[pl.ds(base, HB)], buf0, s0)
        ld1 = pltpu.async_copy(x_hbm.at[pl.ds(base + HB, HB)], buf1, s1)
        ld0.wait()
        st0 = pltpu.async_copy(buf0, out_hbm.at[idx2.at[0]], s2)
        ld1.wait()
        st1 = pltpu.async_copy(buf1, out_hbm.at[idx2.at[1]], s3)
        st0.wait()
        st1.wait()

    @functools.partial(
        pl.kernel,
        out_type=jax.ShapeDtypeStruct((N, D), jnp.float32),
        mesh=mesh,
        scratch_types=scratch,
    )
    def sc_gather(ys_hbm, pos_hbm, out_hbm, idx2, buf0, buf1, s0, s1, s2, s3):
        wid = lax.axis_index("s") * NC + lax.axis_index("c")
        base = wid * CHUNK
        pltpu.sync_copy(pos_hbm.at[pl.ds(base, HB)], idx2.at[0])
        pltpu.sync_copy(pos_hbm.at[pl.ds(base + HB, HB)], idx2.at[1])
        ld0 = pltpu.async_copy(ys_hbm.at[idx2.at[0]], buf0, s0)
        ld1 = pltpu.async_copy(ys_hbm.at[idx2.at[1]], buf1, s1)
        ld0.wait()
        st0 = pltpu.async_copy(buf0, out_hbm.at[pl.ds(base, HB)], s2)
        ld1.wait()
        st1 = pltpu.async_copy(buf1, out_hbm.at[pl.ds(base + HB, HB)], s3)
        st0.wait()
        st1.wait()

    return sc_scatter, sc_gather


def _mlp_body(offs_ref, xs_ref, w1_ref, b1_ref, w2_ref, b2_ref,
              sw1_ref, sb1_ref, sw2_ref, sb2_ref, ys_ref):
    e0 = pl.program_id(0) * EB
    for sub in range(EB):
        start = offs_ref[e0 + sub]
        end = offs_ref[e0 + sub + 1]
        astart = (start // 8) * 8
        nt = (end - astart + BT - 1) // BT

        def tile(t, carry, start=start, end=end, astart=astart, sub=sub):
            s = jnp.minimum(astart + t * BT, N - BT)
            s = pl.multiple_of(s, 8)
            xt = xs_ref[pl.ds(s, BT), :]
            h = _gelu_exact(_dot_t(xt, w1_ref[sub]) + b1_ref[sub])
            y = _dot_t(h, w2_ref[sub]) + b2_ref[sub]
            hs = _gelu_exact(_dot_t(xt, sw1_ref[...]) + sb1_ref[...])
            y = y + _dot_t(hs, sw2_ref[...]) + sb2_ref[...]
            rows = s + lax.broadcasted_iota(jnp.int32, (BT, 1), 0)
            keep = (rows >= start) & (rows < end)
            old = ys_ref[pl.ds(s, BT), :]
            ys_ref[pl.ds(s, BT), :] = jnp.where(keep, y, old)
            return carry

        lax.fori_loop(0, nt, tile, 0)


def _grouped_mlp(offs, xs, W1, b1, W2, b2, sW1, sb1_2d, sW2, sb2_2d):
    grid_spec = pltpu.PrefetchScalarGridSpec(
        num_scalar_prefetch=1,
        grid=(E // EB,),
        in_specs=[
            pl.BlockSpec((N, D), lambda e, offs: (0, 0)),
            pl.BlockSpec((EB, H, D), lambda e, offs: (e, 0, 0)),
            pl.BlockSpec((EB, 1, H), lambda e, offs: (e, 0, 0)),
            pl.BlockSpec((EB, D, H), lambda e, offs: (e, 0, 0)),
            pl.BlockSpec((EB, 1, D), lambda e, offs: (e, 0, 0)),
            pl.BlockSpec((H, D), lambda e, offs: (0, 0)),
            pl.BlockSpec((1, H), lambda e, offs: (0, 0)),
            pl.BlockSpec((D, H), lambda e, offs: (0, 0)),
            pl.BlockSpec((1, D), lambda e, offs: (0, 0)),
        ],
        out_specs=pl.BlockSpec((N, D), lambda e, offs: (0, 0)),
    )
    return pl.pallas_call(
        _mlp_body,
        grid_spec=grid_spec,
        out_shape=jax.ShapeDtypeStruct((N, D), jnp.float32),
        compiler_params=pltpu.CompilerParams(
            dimension_semantics=("arbitrary",)),
    )(offs, xs, W1, b1, W2, b2, sW1, sb1_2d, sW2, sb2_2d)


def kernel(x, gate_W, gate_b, W1, b1, W2, b2, sW1, sb1, sW2, sb2):
    pos2d, off2d = _routing(x, gate_W, gate_b.reshape(1, E))
    pos = pos2d.reshape(N)
    offs = jnp.concatenate(
        [off2d.reshape(E), jnp.full((1,), N, jnp.int32)])
    sc_scatter, sc_gather = _sc_kernels()
    xs = sc_scatter(x, pos)
    ys = _grouped_mlp(offs, xs, W1, b1.reshape(E, 1, H), W2,
                      b2.reshape(E, 1, D),
                      sW1, sb1.reshape(1, H), sW2, sb2.reshape(1, D))
    return sc_gather(ys, pos)

# --- scband reference (transcript-rebuilt; emitter-appended) ---
"""Pipeline reference for scband-sparse-mo-e-89635967468144 (READ-ONLY COPY).

The authoritative reference and input builder live on the scoring server;
editing this copy changes nothing except your own understanding.
"""

import jax, jax.numpy as jnp
import numpy as np

E = 64
TOP_K = 1
D = 1024
H = 512
N = 2048


def setup_inputs(seed: int = 0) -> dict:
    key = jax.random.key(seed)
    ks = jax.random.split(key, 8)
    s = 0.02
    x = jax.random.normal(ks[0], (N, D), dtype=jnp.float32)
    gate_W = jax.random.normal(ks[1], (E, D), dtype=jnp.float32) * s
    gate_b = jnp.zeros((E,), dtype=jnp.float32)
    W1 = jax.random.normal(ks[2], (E, H, D), dtype=jnp.float32) * s
    b1 = jnp.zeros((E, H), dtype=jnp.float32)
    W2 = jax.random.normal(ks[3], (E, D, H), dtype=jnp.float32) * s
    b2 = jnp.zeros((E, D), dtype=jnp.float32)
    sW1 = jax.random.normal(ks[4], (H, D), dtype=jnp.float32) * s
    sb1 = jnp.zeros((H,), dtype=jnp.float32)
    sW2 = jax.random.normal(ks[5], (D, H), dtype=jnp.float32) * s
    sb2 = jnp.zeros((D,), dtype=jnp.float32)
    return {"x": x, "gate_W": gate_W, "gate_b": gate_b, "W1": W1, "b1": b1, "W2": W2, "b2": b2, "sW1": sW1, "sb1": sb1, "sW2": sW2, "sb2": sb2}


def reference(x, gate_W, gate_b, W1, b1, W2, b2, sW1, sb1, sW2, sb2):
    # gate
    gate_logits = x @ gate_W.T + gate_b                      # [N, E]
    weights, selected_experts = jax.lax.top_k(gate_logits, TOP_K)  # [N, k], [N, k]
    weights = jax.nn.softmax(weights, axis=-1)               # [N, k]
    results = jnp.zeros_like(x)
    for i in range(E):
        # per-token routing weight for expert i (0 if not selected) ==
        # results[batch_idx] += weights[batch_idx, nth_expert][:, None] * expert(x[batch_idx])
        w_i = jnp.sum(jnp.where(selected_experts == i, weights, 0.0), axis=-1)  # [N]
        h = jax.nn.gelu(x @ W1[i].T + b1[i], approximate=False)
        out = h @ W2[i].T + b2[i]
        results = results + w_i[:, None] * out
    # shared expert
    shared = jax.nn.gelu(x @ sW1.T + sb1, approximate=False) @ sW2.T + sb2
    results = results + shared
    # torch module returns (results, None); aux_loss_flag=False so we return results
    return results

if __name__ == "__main__":
    import jax
    _d = setup_inputs()
    print(jax.jit(kernel)(*tuple(_d.values())))

</pallas_src>

<mosaic_0001>
#map = affine_map<(d0, d1) -> (0, 0)>
#map1 = affine_map<(d0, d1) -> (0)>
module attributes {stable_mosaic.version = 14 : i64} {
  func.func @sc_gather(%arg0: i32, %arg1: i32, %arg2: memref<2048x1024xf32, #tpu.memory_space<hbm>>, %arg3: memref<2048xi32, #tpu.memory_space<hbm>>, %arg4: memref<2048x1024xf32, #tpu.memory_space<hbm>>, %arg5: memref<2x32xi32, #tpu.memory_space<vmem>>, %arg6: memref<32x1024xf32, #tpu.memory_space<vmem>>, %arg7: memref<32x1024xf32, #tpu.memory_space<vmem>>, %arg8: memref<!tpu.dma_semaphore, #tpu.memory_space<semaphore_mem>>, %arg9: memref<!tpu.dma_semaphore, #tpu.memory_space<semaphore_mem>>, %arg10: memref<!tpu.dma_semaphore, #tpu.memory_space<semaphore_mem>>, %arg11: memref<!tpu.dma_semaphore, #tpu.memory_space<semaphore_mem>>) attributes {dimension_semantics = [#tpu.dimension_semantics<core_parallel>, #tpu.dimension_semantics<subcore_parallel>], iteration_bounds = array<i64: 2, 16>, scalar_prefetch = 0 : i64, scratch_operands = 7 : i64, tpu.core_type = #tpu.core_type<sc_vector_subcore>, window_params = [{transform_indices = #map}, {transform_indices = #map1}, {transform_indices = #map}]} {
    %mul3A = arith.constant 2 : i32
    %mul3A_0 = arith.muli %arg1, %mul3A : i32
    %add3A = arith.addi %mul3A_0, %arg0 : i32
    %mul3A_1 = arith.constant 64 : i32
    %mul3A_2 = arith.muli %add3A, %mul3A_1 : i32
    %run_scoped3A = arith.constant 0 : i32
    "tpu.region"() ({
      %run_scoped3A_50 = tpu.sem_alloc : memref<!tpu.dma_semaphore, #tpu.memory_space<semaphore_mem>>
      %dma_start3A_51 = arith.constant 0 : i32
      %dma_start3A_52 = tpu.memref_slice %arg5[%run_scoped3A, %dma_start3A_51] : memref<2x32xi32, #tpu.memory_space<vmem>> -> memref<1x32xi32, #tpu.memory_space<vmem>>
      %dma_start3A_53 = tpu.memref_squeeze %dma_start3A_52 : memref<1x32xi32, #tpu.memory_space<vmem>> -> memref<32xi32, #tpu.memory_space<vmem>>
      %dma_start3A_54 = tpu.memref_slice %arg3[%mul3A_2] : memref<2048xi32, #tpu.memory_space<hbm>> -> memref<32xi32, #tpu.memory_space<hbm>>
      %dma_start3A_55 = arith.constant 0 : i32
      %dma_start3A_56 = tpu.memref_slice %arg5[%run_scoped3A, %dma_start3A_55] : memref<2x32xi32, #tpu.memory_space<vmem>> -> memref<1x32xi32, #tpu.memory_space<vmem>>
      %dma_start3A_57 = tpu.memref_squeeze %dma_start3A_56 : memref<1x32xi32, #tpu.memory_space<vmem>> -> memref<32xi32, #tpu.memory_space<vmem>>
      %dma_start3A_58 = tpu.memref_slice %arg3[%mul3A_2] : memref<2048xi32, #tpu.memory_space<hbm>> -> memref<32xi32, #tpu.memory_space<hbm>>
      tpu.enqueue_dma source(%dma_start3A_58 : memref<32xi32, #tpu.memory_space<hbm>>) target(%dma_start3A_57 : memref<32xi32, #tpu.memory_space<vmem>>) target_semaphore(%run_scoped3A_50 : memref<!tpu.dma_semaphore, #tpu.memory_space<semaphore_mem>>)
      %dma_wait3A_59 = arith.constant 0 : i32
      %dma_wait3A_60 = tpu.memref_slice %arg5[%run_scoped3A, %dma_wait3A_59] : memref<2x32xi32, #tpu.memory_space<vmem>> -> memref<1x32xi32, #tpu.memory_space<vmem>>
      %dma_wait3A_61 = tpu.memref_squeeze %dma_wait3A_60 : memref<1x32xi32, #tpu.memory_space<vmem>> -> memref<32xi32, #tpu.memory_space<vmem>>
      %dma_wait3A_62 = tpu.memref_slice %arg3[%mul3A_2] : memref<2048xi32, #tpu.memory_space<hbm>> -> memref<32xi32, #tpu.memory_space<hbm>>
      %dma_wait3A_63 = arith.constant 0 : i32
      %dma_wait3A_64 = tpu.memref_slice %arg5[%run_scoped3A, %dma_wait3A_63] : memref<2x32xi32, #tpu.memory_space<vmem>> -> memref<1x32xi32, #tpu.memory_space<vmem>>
      %dma_wait3A_65 = tpu.memref_squeeze %dma_wait3A_64 : memref<1x32xi32, #tpu.memory_space<vmem>> -> memref<32xi32, #tpu.memory_space<vmem>>
      %dma_wait3A_66 = tpu.memref_slice %arg3[%mul3A_2] : memref<2048xi32, #tpu.memory_space<hbm>> -> memref<32xi32, #tpu.memory_space<hbm>>
      tpu.wait_dma2 semaphore(%run_scoped3A_50 : memref<!tpu.dma_semaphore, #tpu.memory_space<semaphore_mem>>) src(%dma_wait3A_66 : memref<32xi32, #tpu.memory_space<hbm>>) dst(%dma_wait3A_65 : memref<32xi32, #tpu.memory_space<vmem>>)
      tpu.yield
    }) : () -> ()
    %add3A_3 = arith.constant 32 : i32
    %add3A_4 = arith.addi %mul3A_2, %add3A_3 : i32
    %run_scoped3A_5 = arith.constant 1 : i32
    "tpu.region"() ({
      %run_scoped3A_50 = tpu.sem_alloc : memref<!tpu.dma_semaphore, #tpu.memory_space<semaphore_mem>>
      %dma_start3A_51 = arith.constant 0 : i32
      %dma_start3A_52 = tpu.memref_slice %arg5[%run_scoped3A_5, %dma_start3A_51] : memref<2x32xi32, #tpu.memory_space<vmem>> -> memref<1x32xi32, #tpu.memory_space<vmem>>
      %dma_start3A_53 = tpu.memref_squeeze %dma_start3A_52 : memref<1x32xi32, #tpu.memory_space<vmem>> -> memref<32xi32, #tpu.memory_space<vmem>>
      %dma_start3A_54 = tpu.memref_slice %arg3[%add3A_4] : memref<2048xi32, #tpu.memory_space<hbm>> -> memref<32xi32, #tpu.memory_space<hbm>>
      %dma_start3A_55 = arith.constant 0 : i32
      %dma_start3A_56 = tpu.memref_slice %arg5[%run_scoped3A_5, %dma_start3A_55] : memref<2x32xi32, #tpu.memory_space<vmem>> -> memref<1x32xi32, #tpu.memory_space<vmem>>
      %dma_start3A_57 = tpu.memref_squeeze %dma_start3A_56 : memref<1x32xi32, #tpu.memory_space<vmem>> -> memref<32xi32, #tpu.memory_space<vmem>>
      %dma_start3A_58 = tpu.memref_slice %arg3[%add3A_4] : memref<2048xi32, #tpu.memory_space<hbm>> -> memref<32xi32, #tpu.memory_space<hbm>>
      tpu.enqueue_dma source(%dma_start3A_58 : memref<32xi32, #tpu.memory_space<hbm>>) target(%dma_start3A_57 : memref<32xi32, #tpu.memory_space<vmem>>) target_semaphore(%run_scoped3A_50 : memref<!tpu.dma_semaphore, #tpu.memory_space<semaphore_mem>>)
      %dma_wait3A_59 = arith.constant 0 : i32
      %dma_wait3A_60 = tpu.memref_slice %arg5[%run_scoped3A_5, %dma_wait3A_59] : memref<2x32xi32, #tpu.memory_space<vmem>> -> memref<1x32xi32, #tpu.memory_space<vmem>>
      %dma_wait3A_61 = tpu.memref_squeeze %dma_wait3A_60 : memref<1x32xi32, #tpu.memory_space<vmem>> -> memref<32xi32, #tpu.memory_space<vmem>>
      %dma_wait3A_62 = tpu.memref_slice %arg3[%add3A_4] : memref<2048xi32, #tpu.memory_space<hbm>> -> memref<32xi32, #tpu.memory_space<hbm>>
      %dma_wait3A_63 = arith.constant 0 : i32
      %dma_wait3A_64 = tpu.memref_slice %arg5[%run_scoped3A_5, %dma_wait3A_63] : memref<2x32xi32, #tpu.memory_space<vmem>> -> memref<1x32xi32, #tpu.memory_space<vmem>>
      %dma_wait3A_65 = tpu.memref_squeeze %dma_wait3A_64 : memref<1x32xi32, #tpu.memory_space<vmem>> -> memref<32xi32, #tpu.memory_space<vmem>>
      %dma_wait3A_66 = tpu.memref_slice %arg3[%add3A_4] : memref<2048xi32, #tpu.memory_space<hbm>> -> memref<32xi32, #tpu.memory_space<hbm>>
      tpu.wait_dma2 semaphore(%run_scoped3A_50 : memref<!tpu.dma_semaphore, #tpu.memory_space<semaphore_mem>>) src(%dma_wait3A_66 : memref<32xi32, #tpu.memory_space<hbm>>) dst(%dma_wait3A_65 : memref<32xi32, #tpu.memory_space<vmem>>)
      tpu.yield
    }) : () -> ()
    %dma_start3A = arith.constant 0 : i32
    %dma_start3A_6 = arith.constant 0 : i32
    %dma_start3A_7 = tpu.memref_slice %arg5[%dma_start3A, %dma_start3A_6] : memref<2x32xi32, #tpu.memory_space<vmem>> -> memref<1x32xi32, #tpu.memory_space<vmem>>
    %dma_start3A_8 = tpu.memref_squeeze %dma_start3A_7 : memref<1x32xi32, #tpu.memory_space<vmem>> -> memref<32xi32, #tpu.memory_space<vmem>>
    %dma_start3A_9 = arith.constant 0 : i32
    %dma_start3A_10 = arith.constant 0 : i32
    %dma_start3A_11 = tpu.memref_slice %arg2[%dma_start3A_9, %dma_start3A_10] : memref<2048x1024xf32, #tpu.memory_space<hbm>> -> memref<2048x1024xf32, #tpu.memory_space<hbm>>
    tpu.enqueue_indirect_dma source(%dma_start3A_11 : memref<2048x1024xf32, #tpu.memory_space<hbm>>) target(%arg6 : memref<32x1024xf32, #tpu.memory_space<vmem>>) offsets(%dma_start3A_8 : memref<32xi32, #tpu.memory_space<vmem>>) semaphore(%arg8 : memref<!tpu.dma_semaphore, #tpu.memory_space<semaphore_mem>>)
    %dma_start3A_12 = arith.constant 1 : i32
    %dma_start3A_13 = arith.constant 0 : i32
    %dma_start3A_14 = tpu.memref_slice %arg5[%dma_start3A_12, %dma_start3A_13] : memref<2x32xi32, #tpu.memory_space<vmem>> -> memref<1x32xi32, #tpu.memory_space<vmem>>
    %dma_start3A_15 = tpu.memref_squeeze %dma_start3A_14 : memref<1x32xi32, #tpu.memory_space<vmem>> -> memref<32xi32, #tpu.memory_space<vmem>>
    %dma_start3A_16 = arith.constant 0 : i32
    %dma_start3A_17 = arith.constant 0 : i32
    %dma_start3A_18 = tpu.memref_slice %arg2[%dma_start3A_16, %dma_start3A_17] : memref<2048x1024xf32, #tpu.memory_space<hbm>> -> memref<2048x1024xf32, #tpu.memory_space<hbm>>
    tpu.enqueue_indirect_dma source(%dma_start3A_18 : memref<2048x1024xf32, #tpu.memory_space<hbm>>) target(%arg7 : memref<32x1024xf32, #tpu.memory_space<vmem>>) offsets(%dma_start3A_15 : memref<32xi32, #tpu.memory_space<vmem>>) semaphore(%arg9 : memref<!tpu.dma_semaphore, #tpu.memory_space<semaphore_mem>>)
    %dma_wait3A = arith.constant 0 : i32
    %dma_wait3A_19 = arith.constant 0 : i32
    %dma_wait3A_20 = tpu.memref_slice %arg5[%dma_wait3A, %dma_wait3A_19] : memref<2x32xi32, #tpu.memory_space<vmem>> -> memref<1x32xi32, #tpu.memory_space<vmem>>
    %dma_wait3A_21 = tpu.memref_squeeze %dma_wait3A_20 : memref<1x32xi32, #tpu.memory_space<vmem>> -> memref<32xi32, #tpu.memory_space<vmem>>
    %dma_wait3A_22 = arith.constant 0 : i32
    %dma_wait3A_23 = arith.constant 0 : i32
    %dma_wait3A_24 = tpu.memref_slice %arg2[%dma_wait3A_22, %dma_wait3A_23] : memref<2048x1024xf32, #tpu.memory_space<hbm>> -> memref<2048x1024xf32, #tpu.memory_space<hbm>>
    tpu.wait_indirect_dma semaphore(%arg8 : memref<!tpu.dma_semaphore, #tpu.memory_space<semaphore_mem>>) src(%dma_wait3A_24 : memref<2048x1024xf32, #tpu.memory_space<hbm>>) dst(%arg6 : memref<32x1024xf32, #tpu.memory_space<vmem>>)
    %dma_start3A_25 = arith.constant 0 : i32
    %dma_start3A_26 = tpu.memref_slice %arg4[%mul3A_2, %dma_start3A_25] : memref<2048x1024xf32, #tpu.memory_space<hbm>> -> memref<32x1024xf32, #tpu.memory_space<hbm>>
    %dma_start3A_27 = arith.constant 0 : i32
    %dma_start3A_28 = tpu.memref_slice %arg4[%mul3A_2, %dma_start3A_27] : memref<2048x1024xf32, #tpu.memory_space<hbm>> -> memref<32x1024xf32, #tpu.memory_space<hbm>>
    tpu.enqueue_dma source(%arg6 : memref<32x1024xf32, #tpu.memory_space<vmem>>) target(%dma_start3A_28 : memref<32x1024xf32, #tpu.memory_space<hbm>>) target_semaphore(%arg10 : memref<!tpu.dma_semaphore, #tpu.memory_space<semaphore_mem>>)
    %dma_wait3A_29 = arith.constant 1 : i32
    %dma_wait3A_30 = arith.constant 0 : i32
    %dma_wait3A_31 = tpu.memref_slice %arg5[%dma_wait3A_29, %dma_wait3A_30] : memref<2x32xi32, #tpu.memory_space<vmem>> -> memref<1x32xi32, #tpu.memory_space<vmem>>
    %dma_wait3A_32 = tpu.memref_squeeze %dma_wait3A_31 : memref<1x32xi32, #tpu.memory_space<vmem>> -> memref<32xi32, #tpu.memory_space<vmem>>
    %dma_wait3A_33 = arith.constant 0 : i32
    %dma_wait3A_34 = arith.constant 0 : i32
    %dma_wait3A_35 = tpu.memref_slice %arg2[%dma_wait3A_33, %dma_wait3A_34] : memref<2048x1024xf32, #tpu.memory_space<hbm>> -> memref<2048x1024xf32, #tpu.memory_space<hbm>>
    tpu.wait_indirect_dma semaphore(%arg9 : memref<!tpu.dma_semaphore, #tpu.memory_space<semaphore_mem>>) src(%dma_wait3A_35 : memref<2048x1024xf32, #tpu.memory_space<hbm>>) dst(%arg7 : memref<32x1024xf32, #tpu.memory_space<vmem>>)
    %add3A_36 = arith.constant 32 : i32
    %add3A_37 = arith.addi %mul3A_2, %add3A_36 : i32
    %dma_start3A_38 = arith.constant 0 : i32
    %dma_start3A_39 = tpu.memref_slice %arg4[%add3A_37, %dma_start3A_38] : memref<2048x1024xf32, #tpu.memory_space<hbm>> -> memref<32x1024xf32, #tpu.memory_space<hbm>>
    %dma_start3A_40 = arith.constant 0 : i32
    %dma_start3A_41 = tpu.memref_slice %arg4[%add3A_37, %dma_start3A_40] : memref<2048x1024xf32, #tpu.memory_space<hbm>> -> memref<32x1024xf32, #tpu.memory_space<hbm>>
    tpu.enqueue_dma source(%arg7 : memref<32x1024xf32, #tpu.memory_space<vmem>>) target(%dma_start3A_41 : memref<32x1024xf32, #tpu.memory_space<hbm>>) target_semaphore(%arg11 : memref<!tpu.dma_semaphore, #tpu.memory_space<semaphore_mem>>)
    %dma_wait3A_42 = arith.constant 0 : i32
    %dma_wait3A_43 = tpu.memref_slice %arg4[%mul3A_2, %dma_wait3A_42] : memref<2048x1024xf32, #tpu.memory_space<hbm>> -> memref<32x1024xf32, #tpu.memory_space<hbm>>
    %dma_wait3A_44 = arith.constant 0 : i32
    %dma_wait3A_45 = tpu.memref_slice %arg4[%mul3A_2, %dma_wait3A_44] : memref<2048x1024xf32, #tpu.memory_space<hbm>> -> memref<32x1024xf32, #tpu.memory_space<hbm>>
    tpu.wait_dma2 semaphore(%arg10 : memref<!tpu.dma_semaphore, #tpu.memory_space<semaphore_mem>>) src(%arg6 : memref<32x1024xf32, #tpu.memory_space<vmem>>) dst(%dma_wait3A_45 : memref<32x1024xf32, #tpu.memory_space<hbm>>)
    %dma_wait3A_46 = arith.constant 0 : i32
    %dma_wait3A_47 = tpu.memref_slice %arg4[%add3A_37, %dma_wait3A_46] : memref<2048x1024xf32, #tpu.memory_space<hbm>> -> memref<32x1024xf32, #tpu.memory_space<hbm>>
    %dma_wait3A_48 = arith.constant 0 : i32
    %dma_wait3A_49 = tpu.memref_slice %arg4[%add3A_37, %dma_wait3A_48] : memref<2048x1024xf32, #tpu.memory_space<hbm>> -> memref<32x1024xf32, #tpu.memory_space<hbm>>
    tpu.wait_dma2 semaphore(%arg11 : memref<!tpu.dma_semaphore, #tpu.memory_space<semaphore_mem>>) src(%arg7 : memref<32x1024xf32, #tpu.memory_space<vmem>>) dst(%dma_wait3A_49 : memref<32x1024xf32, #tpu.memory_space<hbm>>)
    return
  }
}

#map = affine_map<(d0, d1) -> (0, 0)>
#map1 = affine_map<(d0, d1) -> (0)>
module attributes {stable_mosaic.version = 14 : i64} {
  func.func @sc_scatter(%arg0: i32, %arg1: i32, %arg2: memref<2048x1024xf32, #tpu.memory_space<hbm>>, %arg3: memref<2048xi32, #tpu.memory_space<hbm>>, %arg4: memref<2048x1024xf32, #tpu.memory_space<hbm>>, %arg5: memref<2x32xi32, #tpu.memory_space<vmem>>, %arg6: memref<32x1024xf32, #tpu.memory_space<vmem>>, %arg7: memref<32x1024xf32, #tpu.memory_space<vmem>>, %arg8: memref<!tpu.dma_semaphore, #tpu.memory_space<semaphore_mem>>, %arg9: memref<!tpu.dma_semaphore, #tpu.memory_space<semaphore_mem>>, %arg10: memref<!tpu.dma_semaphore, #tpu.memory_space<semaphore_mem>>, %arg11: memref<!tpu.dma_semaphore, #tpu.memory_space<semaphore_mem>>) attributes {dimension_semantics = [#tpu.dimension_semantics<core_parallel>, #tpu.dimension_semantics<subcore_parallel>], iteration_bounds = array<i64: 2, 16>, scalar_prefetch = 0 : i64, scratch_operands = 7 : i64, tpu.core_type = #tpu.core_type<sc_vector_subcore>, window_params = [{transform_indices = #map}, {transform_indices = #map1}, {transform_indices = #map}]} {
    %mul3A = arith.constant 2 : i32
    %mul3A_0 = arith.muli %arg1, %mul3A : i32
    %add3A = arith.addi %mul3A_0, %arg0 : i32
    %mul3A_1 = arith.constant 64 : i32
    %mul3A_2 = arith.muli %add3A, %mul3A_1 : i32
    %run_scoped3A = arith.constant 0 : i32
    "tpu.region"() ({
      %run_scoped3A_50 = tpu.sem_alloc : memref<!tpu.dma_semaphore, #tpu.memory_space<semaphore_mem>>
      %dma_start3A_51 = arith.constant 0 : i32
      %dma_start3A_52 = tpu.memref_slice %arg5[%run_scoped3A, %dma_start3A_51] : memref<2x32xi32, #tpu.memory_space<vmem>> -> memref<1x32xi32, #tpu.memory_space<vmem>>
      %dma_start3A_53 = tpu.memref_squeeze %dma_start3A_52 : memref<1x32xi32, #tpu.memory_space<vmem>> -> memref<32xi32, #tpu.memory_space<vmem>>
      %dma_start3A_54 = tpu.memref_slice %arg3[%mul3A_2] : memref<2048xi32, #tpu.memory_space<hbm>> -> memref<32xi32, #tpu.memory_space<hbm>>
      %dma_start3A_55 = arith.constant 0 : i32
      %dma_start3A_56 = tpu.memref_slice %arg5[%run_scoped3A, %dma_start3A_55] : memref<2x32xi32, #tpu.memory_space<vmem>> -> memref<1x32xi32, #tpu.memory_space<vmem>>
      %dma_start3A_57 = tpu.memref_squeeze %dma_start3A_56 : memref<1x32xi32, #tpu.memory_space<vmem>> -> memref<32xi32, #tpu.memory_space<vmem>>
      %dma_start3A_58 = tpu.memref_slice %arg3[%mul3A_2] : memref<2048xi32, #tpu.memory_space<hbm>> -> memref<32xi32, #tpu.memory_space<hbm>>
      tpu.enqueue_dma source(%dma_start3A_58 : memref<32xi32, #tpu.memory_space<hbm>>) target(%dma_start3A_57 : memref<32xi32, #tpu.memory_space<vmem>>) target_semaphore(%run_scoped3A_50 : memref<!tpu.dma_semaphore, #tpu.memory_space<semaphore_mem>>)
      %dma_wait3A_59 = arith.constant 0 : i32
      %dma_wait3A_60 = tpu.memref_slice %arg5[%run_scoped3A, %dma_wait3A_59] : memref<2x32xi32, #tpu.memory_space<vmem>> -> memref<1x32xi32, #tpu.memory_space<vmem>>
      %dma_wait3A_61 = tpu.memref_squeeze %dma_wait3A_60 : memref<1x32xi32, #tpu.memory_space<vmem>> -> memref<32xi32, #tpu.memory_space<vmem>>
      %dma_wait3A_62 = tpu.memref_slice %arg3[%mul3A_2] : memref<2048xi32, #tpu.memory_space<hbm>> -> memref<32xi32, #tpu.memory_space<hbm>>
      %dma_wait3A_63 = arith.constant 0 : i32
      %dma_wait3A_64 = tpu.memref_slice %arg5[%run_scoped3A, %dma_wait3A_63] : memref<2x32xi32, #tpu.memory_space<vmem>> -> memref<1x32xi32, #tpu.memory_space<vmem>>
      %dma_wait3A_65 = tpu.memref_squeeze %dma_wait3A_64 : memref<1x32xi32, #tpu.memory_space<vmem>> -> memref<32xi32, #tpu.memory_space<vmem>>
      %dma_wait3A_66 = tpu.memref_slice %arg3[%mul3A_2] : memref<2048xi32, #tpu.memory_space<hbm>> -> memref<32xi32, #tpu.memory_space<hbm>>
      tpu.wait_dma2 semaphore(%run_scoped3A_50 : memref<!tpu.dma_semaphore, #tpu.memory_space<semaphore_mem>>) src(%dma_wait3A_66 : memref<32xi32, #tpu.memory_space<hbm>>) dst(%dma_wait3A_65 : memref<32xi32, #tpu.memory_space<vmem>>)
      tpu.yield
    }) : () -> ()
    %add3A_3 = arith.constant 32 : i32
    %add3A_4 = arith.addi %mul3A_2, %add3A_3 : i32
    %run_scoped3A_5 = arith.constant 1 : i32
    "tpu.region"() ({
      %run_scoped3A_50 = tpu.sem_alloc : memref<!tpu.dma_semaphore, #tpu.memory_space<semaphore_mem>>
      %dma_start3A_51 = arith.constant 0 : i32
      %dma_start3A_52 = tpu.memref_slice %arg5[%run_scoped3A_5, %dma_start3A_51] : memref<2x32xi32, #tpu.memory_space<vmem>> -> memref<1x32xi32, #tpu.memory_space<vmem>>
      %dma_start3A_53 = tpu.memref_squeeze %dma_start3A_52 : memref<1x32xi32, #tpu.memory_space<vmem>> -> memref<32xi32, #tpu.memory_space<vmem>>
      %dma_start3A_54 = tpu.memref_slice %arg3[%add3A_4] : memref<2048xi32, #tpu.memory_space<hbm>> -> memref<32xi32, #tpu.memory_space<hbm>>
      %dma_start3A_55 = arith.constant 0 : i32
      %dma_start3A_56 = tpu.memref_slice %arg5[%run_scoped3A_5, %dma_start3A_55] : memref<2x32xi32, #tpu.memory_space<vmem>> -> memref<1x32xi32, #tpu.memory_space<vmem>>
      %dma_start3A_57 = tpu.memref_squeeze %dma_start3A_56 : memref<1x32xi32, #tpu.memory_space<vmem>> -> memref<32xi32, #tpu.memory_space<vmem>>
      %dma_start3A_58 = tpu.memref_slice %arg3[%add3A_4] : memref<2048xi32, #tpu.memory_space<hbm>> -> memref<32xi32, #tpu.memory_space<hbm>>
      tpu.enqueue_dma source(%dma_start3A_58 : memref<32xi32, #tpu.memory_space<hbm>>) target(%dma_start3A_57 : memref<32xi32, #tpu.memory_space<vmem>>) target_semaphore(%run_scoped3A_50 : memref<!tpu.dma_semaphore, #tpu.memory_space<semaphore_mem>>)
      %dma_wait3A_59 = arith.constant 0 : i32
      %dma_wait3A_60 = tpu.memref_slice %arg5[%run_scoped3A_5, %dma_wait3A_59] : memref<2x32xi32, #tpu.memory_space<vmem>> -> memref<1x32xi32, #tpu.memory_space<vmem>>
      %dma_wait3A_61 = tpu.memref_squeeze %dma_wait3A_60 : memref<1x32xi32, #tpu.memory_space<vmem>> -> memref<32xi32, #tpu.memory_space<vmem>>
      %dma_wait3A_62 = tpu.memref_slice %arg3[%add3A_4] : memref<2048xi32, #tpu.memory_space<hbm>> -> memref<32xi32, #tpu.memory_space<hbm>>
      %dma_wait3A_63 = arith.constant 0 : i32
      %dma_wait3A_64 = tpu.memref_slice %arg5[%run_scoped3A_5, %dma_wait3A_63] : memref<2x32xi32, #tpu.memory_space<vmem>> -> memref<1x32xi32, #tpu.memory_space<vmem>>
      %dma_wait3A_65 = tpu.memref_squeeze %dma_wait3A_64 : memref<1x32xi32, #tpu.memory_space<vmem>> -> memref<32xi32, #tpu.memory_space<vmem>>
      %dma_wait3A_66 = tpu.memref_slice %arg3[%add3A_4] : memref<2048xi32, #tpu.memory_space<hbm>> -> memref<32xi32, #tpu.memory_space<hbm>>
      tpu.wait_dma2 semaphore(%run_scoped3A_50 : memref<!tpu.dma_semaphore, #tpu.memory_space<semaphore_mem>>) src(%dma_wait3A_66 : memref<32xi32, #tpu.memory_space<hbm>>) dst(%dma_wait3A_65 : memref<32xi32, #tpu.memory_space<vmem>>)
      tpu.yield
    }) : () -> ()
    %dma_start3A = arith.constant 0 : i32
    %dma_start3A_6 = tpu.memref_slice %arg2[%mul3A_2, %dma_start3A] : memref<2048x1024xf32, #tpu.memory_space<hbm>> -> memref<32x1024xf32, #tpu.memory_space<hbm>>
    %dma_start3A_7 = arith.constant 0 : i32
    %dma_start3A_8 = tpu.memref_slice %arg2[%mul3A_2, %dma_start3A_7] : memref<2048x1024xf32, #tpu.memory_space<hbm>> -> memref<32x1024xf32, #tpu.memory_space<hbm>>
    tpu.enqueue_dma source(%dma_start3A_8 : memref<32x1024xf32, #tpu.memory_space<hbm>>) target(%arg6 : memref<32x1024xf32, #tpu.memory_space<vmem>>) target_semaphore(%arg8 : memref<!tpu.dma_semaphore, #tpu.memory_space<semaphore_mem>>)
    %add3A_9 = arith.constant 32 : i32
    %add3A_10 = arith.addi %mul3A_2, %add3A_9 : i32
    %dma_start3A_11 = arith.constant 0 : i32
    %dma_start3A_12 = tpu.memref_slice %arg2[%add3A_10, %dma_start3A_11] : memref<2048x1024xf32, #tpu.memory_space<hbm>> -> memref<32x1024xf32, #tpu.memory_space<hbm>>
    %dma_start3A_13 = arith.constant 0 : i32
    %dma_start3A_14 = tpu.memref_slice %arg2[%add3A_10, %dma_start3A_13] : memref<2048x1024xf32, #tpu.memory_space<hbm>> -> memref<32x1024xf32, #tpu.memory_space<hbm>>
    tpu.enqueue_dma source(%dma_start3A_14 : memref<32x1024xf32, #tpu.memory_space<hbm>>) target(%arg7 : memref<32x1024xf32, #tpu.memory_space<vmem>>) target_semaphore(%arg9 : memref<!tpu.dma_semaphore, #tpu.memory_space<semaphore_mem>>)
    %dma_wait3A = arith.constant 0 : i32
    %dma_wait3A_15 = tpu.memref_slice %arg2[%mul3A_2, %dma_wait3A] : memref<2048x1024xf32, #tpu.memory_space<hbm>> -> memref<32x1024xf32, #tpu.memory_space<hbm>>
    %dma_wait3A_16 = arith.constant 0 : i32
    %dma_wait3A_17 = tpu.memref_slice %arg2[%mul3A_2, %dma_wait3A_16] : memref<2048x1024xf32, #tpu.memory_space<hbm>> -> memref<32x1024xf32, #tpu.memory_space<hbm>>
    tpu.wait_dma2 semaphore(%arg8 : memref<!tpu.dma_semaphore, #tpu.memory_space<semaphore_mem>>) src(%dma_wait3A_17 : memref<32x1024xf32, #tpu.memory_space<hbm>>) dst(%arg6 : memref<32x1024xf32, #tpu.memory_space<vmem>>)
    %dma_start3A_18 = arith.constant 0 : i32
    %dma_start3A_19 = arith.constant 0 : i32
    %dma_start3A_20 = tpu.memref_slice %arg5[%dma_start3A_18, %dma_start3A_19] : memref<2x32xi32, #tpu.memory_space<vmem>> -> memref<1x32xi32, #tpu.memory_space<vmem>>
    %dma_start3A_21 = tpu.memref_squeeze %dma_start3A_20 : memref<1x32xi32, #tpu.memory_space<vmem>> -> memref<32xi32, #tpu.memory_space<vmem>>
    %dma_start3A_22 = arith.constant 0 : i32
    %dma_start3A_23 = arith.constant 0 : i32
    %dma_start3A_24 = tpu.memref_slice %arg4[%dma_start3A_22, %dma_start3A_23] : memref<2048x1024xf32, #tpu.memory_space<hbm>> -> memref<2048x1024xf32, #tpu.memory_space<hbm>>
    tpu.enqueue_indirect_dma source(%arg6 : memref<32x1024xf32, #tpu.memory_space<vmem>>) target(%dma_start3A_24 : memref<2048x1024xf32, #tpu.memory_space<hbm>>) offsets(%dma_start3A_21 : memref<32xi32, #tpu.memory_space<vmem>>) semaphore(%arg10 : memref<!tpu.dma_semaphore, #tpu.memory_space<semaphore_mem>>)
    %dma_wait3A_25 = arith.constant 0 : i32
    %dma_wait3A_26 = tpu.memref_slice %arg2[%add3A_10, %dma_wait3A_25] : memref<2048x1024xf32, #tpu.memory_space<hbm>> -> memref<32x1024xf32, #tpu.memory_space<hbm>>
    %dma_wait3A_27 = arith.constant 0 : i32
    %dma_wait3A_28 = tpu.memref_slice %arg2[%add3A_10, %dma_wait3A_27] : memref<2048x1024xf32, #tpu.memory_space<hbm>> -> memref<32x1024xf32, #tpu.memory_space<hbm>>
    tpu.wait_dma2 semaphore(%arg9 : memref<!tpu.dma_semaphore, #tpu.memory_space<semaphore_mem>>) src(%dma_wait3A_28 : memref<32x1024xf32, #tpu.memory_space<hbm>>) dst(%arg7 : memref<32x1024xf32, #tpu.memory_space<vmem>>)
    %dma_start3A_29 = arith.constant 1 : i32
    %dma_start3A_30 = arith.constant 0 : i32
    %dma_start3A_31 = tpu.memref_slice %arg5[%dma_start3A_29, %dma_start3A_30] : memref<2x32xi32, #tpu.memory_space<vmem>> -> memref<1x32xi32, #tpu.memory_space<vmem>>
    %dma_start3A_32 = tpu.memref_squeeze %dma_start3A_31 : memref<1x32xi32, #tpu.memory_space<vmem>> -> memref<32xi32, #tpu.memory_space<vmem>>
    %dma_start3A_33 = arith.constant 0 : i32
    %dma_start3A_34 = arith.constant 0 : i32
    %dma_start3A_35 = tpu.memref_slice %arg4[%dma_start3A_33, %dma_start3A_34] : memref<2048x1024xf32, #tpu.memory_space<hbm>> -> memref<2048x1024xf32, #tpu.memory_space<hbm>>
    tpu.enqueue_indirect_dma source(%arg7 : memref<32x1024xf32, #tpu.memory_space<vmem>>) target(%dma_start3A_35 : memref<2048x1024xf32, #tpu.memory_space<hbm>>) offsets(%dma_start3A_32 : memref<32xi32, #tpu.memory_space<vmem>>) semaphore(%arg11 : memref<!tpu.dma_semaphore, #tpu.memory_space<semaphore_mem>>)
    %dma_wait3A_36 = arith.constant 0 : i32
    %dma_wait3A_37 = arith.constant 0 : i32
    %dma_wait3A_38 = tpu.memref_slice %arg5[%dma_wait3A_36, %dma_wait3A_37] : memref<2x32xi32, #tpu.memory_space<vmem>> -> memref<1x32xi32, #tpu.memory_space<vmem>>
    %dma_wait3A_39 = tpu.memref_squeeze %dma_wait3A_38 : memref<1x32xi32, #tpu.memory_space<vmem>> -> memref<32xi32, #tpu.memory_space<vmem>>
    %dma_wait3A_40 = arith.constant 0 : i32
    %dma_wait3A_41 = arith.constant 0 : i32
    %dma_wait3A_42 = tpu.memref_slice %arg4[%dma_wait3A_40, %dma_wait3A_41] : memref<2048x1024xf32, #tpu.memory_space<hbm>> -> memref<2048x1024xf32, #tpu.memory_space<hbm>>
    tpu.wait_indirect_dma semaphore(%arg10 : memref<!tpu.dma_semaphore, #tpu.memory_space<semaphore_mem>>) src(%arg6 : memref<32x1024xf32, #tpu.memory_space<vmem>>) dst(%dma_wait3A_42 : memref<2048x1024xf32, #tpu.memory_space<hbm>>)
    %dma_wait3A_43 = arith.constant 1 : i32
    %dma_wait3A_44 = arith.constant 0 : i32
    %dma_wait3A_45 = tpu.memref_slice %arg5[%dma_wait3A_43, %dma_wait3A_44] : memref<2x32xi32, #tpu.memory_space<vmem>> -> memref<1x32xi32, #tpu.memory_space<vmem>>
    %dma_wait3A_46 = tpu.memref_squeeze %dma_wait3A_45 : memref<1x32xi32, #tpu.memory_space<vmem>> -> memref<32xi32, #tpu.memory_space<vmem>>
    %dma_wait3A_47 = arith.constant 0 : i32
    %dma_wait3A_48 = arith.constant 0 : i32
    %dma_wait3A_49 = tpu.memref_slice %arg4[%dma_wait3A_47, %dma_wait3A_48] : memref<2048x1024xf32, #tpu.memory_space<hbm>> -> memref<2048x1024xf32, #tpu.memory_space<hbm>>
    tpu.wait_indirect_dma semaphore(%arg11 : memref<!tpu.dma_semaphore, #tpu.memory_space<semaphore_mem>>) src(%arg7 : memref<32x1024xf32, #tpu.memory_space<vmem>>) dst(%dma_wait3A_49 : memref<2048x1024xf32, #tpu.memory_space<hbm>>)
    return
  }
}

module attributes {stable_mosaic.version = 14 : i64} {
  func.func @_routing_body(%arg0: memref<2048x1024xf32, #tpu.memory_space<vmem>>, %arg1: memref<64x1024xf32, #tpu.memory_space<vmem>>, %arg2: memref<1x64xf32, #tpu.memory_space<vmem>>, %arg3: memref<2048x1xi32, #tpu.memory_space<vmem>>, %arg4: memref<1x64xi32, #tpu.memory_space<vmem>>) attributes {dimension_semantics = [], scalar_prefetch = 0 : i64, scratch_operands = 0 : i64, tpu.core_type = #tpu.core_type<tc>} {
    %get3A = arith.constant 0 : index
    %get3A_0 = arith.constant 0 : index
    %get3A_1 = vector.load %arg0[%get3A, %get3A_0] : memref<2048x1024xf32, #tpu.memory_space<vmem>>, vector<2048x1024xf32>
    %get3A_2 = arith.constant 0 : index
    %get3A_3 = arith.constant 0 : index
    %get3A_4 = vector.load %arg1[%get3A_2, %get3A_3] : memref<64x1024xf32, #tpu.memory_space<vmem>>, vector<64x1024xf32>
    %dot_general3A = arith.constant dense<0.000000e+00> : vector<2048x64xf32>
    %dot_general3A_5 = tpu.matmul %get3A_1, %get3A_4, %dot_general3A {dimension_numbers = #tpu.dot_dimension_numbers<[1], [1], [0], [0], [0, 0, 1, 0], [], []>, transpose_lhs_hint = false} : vector<2048x1024xf32>, vector<64x1024xf32>, vector<2048x64xf32> -> vector<2048x64xf32>
    %get3A_6 = arith.constant 0 : index
    %get3A_7 = arith.constant 0 : index
    %get3A_8 = vector.load %arg2[%get3A_6, %get3A_7] : memref<1x64xf32, #tpu.memory_space<vmem>>, vector<1x64xf32>
    %add3A = vector.broadcast %get3A_8 : vector<1x64xf32> to vector<2048x64xf32>
    %add3A_9 = arith.addf %dot_general3A_5, %add3A : vector<2048x64xf32>
    %reduce_max3A = arith.constant dense<0xFF800000> : vector<2048xf32>
    %reduce_max3A_10 = vector.multi_reduction <maximumf>, %add3A_9, %reduce_max3A [1] : vector<2048x64xf32> to vector<2048xf32>
    %broadcast_in_dim3A = vector.shape_cast %reduce_max3A_10 : vector<2048xf32> to vector<2048x1xf32>
    %iota3A = tpu.iota {dimensions = array<i32: 1>} : vector<2048x64xi32>
    %eq3A = vector.broadcast %broadcast_in_dim3A : vector<2048x1xf32> to vector<2048x64xf32>
    %eq3A_11 = arith.cmpf oeq, %add3A_9, %eq3A : vector<2048x64xf32>
    %jit3A = arith.constant 64 : i32
    %broadcast_in_dim3A_12 = vector.broadcast %jit3A : i32 to vector<2048x64xi32>
    %select_n3A = arith.select %eq3A_11, %iota3A, %broadcast_in_dim3A_12 : vector<2048x64xi1>, vector<2048x64xi32>
    %reduce_min3A = arith.constant dense<2147483647> : vector<2048xi32>
    %reduce_min3A_13 = vector.multi_reduction <minsi>, %select_n3A, %reduce_min3A [1] : vector<2048x64xi32> to vector<2048xi32>
    %broadcast_in_dim3A_14 = vector.shape_cast %reduce_min3A_13 : vector<2048xi32> to vector<2048x1xi32>
    %eq3A_15 = vector.broadcast %broadcast_in_dim3A_14 : vector<2048x1xi32> to vector<2048x64xi32>
    %eq3A_16 = arith.cmpi eq, %iota3A, %eq3A_15 : vector<2048x64xi32>
    %convert_element_type3A = arith.extui %eq3A_16 : vector<2048x64xi1> to vector<2048x64xi32>
    %broadcast_in_dim3A_17 = arith.constant 0 : i32
    %broadcast_in_dim3A_18 = vector.broadcast %broadcast_in_dim3A_17 : i32 to vector<1x64xi32>
    %slice3A = vector.extract_strided_slice %convert_element_type3A {offsets = [0, 0], sizes = [2047, 64], strides = [1, 1]} : vector<2048x64xi32> to vector<2047x64xi32>
    %concatenate3A = tpu.concatenate %broadcast_in_dim3A_18, %slice3A in 0 : vector<1x64xi32>, vector<2047x64xi32> -> vector<2048x64xi32>
    %add3A_19 = arith.addi %convert_element_type3A, %concatenate3A : vector<2048x64xi32>
    %broadcast_in_dim3A_20 = arith.constant 0 : i32
    %broadcast_in_dim3A_21 = vector.broadcast %broadcast_in_dim3A_20 : i32 to vector<2x64xi32>
    %slice3A_22 = vector.extract_strided_slice %add3A_19 {offsets = [0, 0], sizes = [2046, 64], strides = [1, 1]} : vector<2048x64xi32> to vector<2046x64xi32>
    %concatenate3A_23 = tpu.concatenate %broadcast_in_dim3A_21, %slice3A_22 in 0 : vector<2x64xi32>, vector<2046x64xi32> -> vector<2048x64xi32>
    %add3A_24 = arith.addi %add3A_19, %concatenate3A_23 : vector<2048x64xi32>
    %broadcast_in_dim3A_25 = arith.constant 0 : i32
    %broadcast_in_dim3A_26 = vector.broadcast %broadcast_in_dim3A_25 : i32 to vector<4x64xi32>
    %slice3A_27 = vector.extract_strided_slice %add3A_24 {offsets = [0, 0], sizes = [2044, 64], strides = [1, 1]} : vector<2048x64xi32> to vector<2044x64xi32>
    %concatenate3A_28 = tpu.concatenate %broadcast_in_dim3A_26, %slice3A_27 in 0 : vector<4x64xi32>, vector<2044x64xi32> -> vector<2048x64xi32>
    %add3A_29 = arith.addi %add3A_24, %concatenate3A_28 : vector<2048x64xi32>
    %broadcast_in_dim3A_30 = arith.constant 0 : i32
    %broadcast_in_dim3A_31 = vector.broadcast %broadcast_in_dim3A_30 : i32 to vector<8x64xi32>
    %slice3A_32 = vector.extract_strided_slice %add3A_29 {offsets = [0, 0], sizes = [2040, 64], strides = [1, 1]} : vector<2048x64xi32> to vector<2040x64xi32>
    %concatenate3A_33 = tpu.concatenate %broadcast_in_dim3A_31, %slice3A_32 in 0 : vector<8x64xi32>, vector<2040x64xi32> -> vector<2048x64xi32>
    %add3A_34 = arith.addi %add3A_29, %concatenate3A_33 : vector<2048x64xi32>
    %broadcast_in_dim3A_35 = arith.constant 0 : i32
    %broadcast_in_dim3A_36 = vector.broadcast %broadcast_in_dim3A_35 : i32 to vector<16x64xi32>
    %slice3A_37 = vector.extract_strided_slice %add3A_34 {offsets = [0, 0], sizes = [2032, 64], strides = [1, 1]} : vector<2048x64xi32> to vector<2032x64xi32>
    %concatenate3A_38 = tpu.concatenate %broadcast_in_dim3A_36, %slice3A_37 in 0 : vector<16x64xi32>, vector<2032x64xi32> -> vector<2048x64xi32>
    %add3A_39 = arith.addi %add3A_34, %concatenate3A_38 : vector<2048x64xi32>
    %broadcast_in_dim3A_40 = arith.constant 0 : i32
    %broadcast_in_dim3A_41 = vector.broadcast %broadcast_in_dim3A_40 : i32 to vector<32x64xi32>
    %slice3A_42 = vector.extract_strided_slice %add3A_39 {offsets = [0, 0], sizes = [2016, 64], strides = [1, 1]} : vector<2048x64xi32> to vector<2016x64xi32>
    %concatenate3A_43 = tpu.concatenate %broadcast_in_dim3A_41, %slice3A_42 in 0 : vector<32x64xi32>, vector<2016x64xi32> -> vector<2048x64xi32>
    %add3A_44 = arith.addi %add3A_39, %concatenate3A_43 : vector<2048x64xi32>
    %broadcast_in_dim3A_45 = arith.constant 0 : i32
    %broadcast_in_dim3A_46 = vector.broadcast %broadcast_in_dim3A_45 : i32 to vector<64x64xi32>
    %slice3A_47 = vector.extract_strided_slice %add3A_44 {offsets = [0, 0], sizes = [1984, 64], strides = [1, 1]} : vector<2048x64xi32> to vector<1984x64xi32>
    %concatenate3A_48 = tpu.concatenate %broadcast_in_dim3A_46, %slice3A_47 in 0 : vector<64x64xi32>, vector<1984x64xi32> -> vector<2048x64xi32>
    %add3A_49 = arith.addi %add3A_44, %concatenate3A_48 : vector<2048x64xi32>
    %broadcast_in_dim3A_50 = arith.constant 0 : i32
    %broadcast_in_dim3A_51 = vector.broadcast %broadcast_in_dim3A_50 : i32 to vector<128x64xi32>
    %slice3A_52 = vector.extract_strided_slice %add3A_49 {offsets = [0, 0], sizes = [1920, 64], strides = [1, 1]} : vector<2048x64xi32> to vector<1920x64xi32>
    %concatenate3A_53 = tpu.concatenate %broadcast_in_dim3A_51, %slice3A_52 in 0 : vector<128x64xi32>, vector<1920x64xi32> -> vector<2048x64xi32>
    %add3A_54 = arith.addi %add3A_49, %concatenate3A_53 : vector<2048x64xi32>
    %broadcast_in_dim3A_55 = arith.constant 0 : i32
    %broadcast_in_dim3A_56 = vector.broadcast %broadcast_in_dim3A_55 : i32 to vector<256x64xi32>
    %slice3A_57 = vector.extract_strided_slice %add3A_54 {offsets = [0, 0], sizes = [1792, 64], strides = [1, 1]} : vector<2048x64xi32> to vector<1792x64xi32>
    %concatenate3A_58 = tpu.concatenate %broadcast_in_dim3A_56, %slice3A_57 in 0 : vector<256x64xi32>, vector<1792x64xi32> -> vector<2048x64xi32>
    %add3A_59 = arith.addi %add3A_54, %concatenate3A_58 : vector<2048x64xi32>
    %broadcast_in_dim3A_60 = arith.constant 0 : i32
    %broadcast_in_dim3A_61 = vector.broadcast %broadcast_in_dim3A_60 : i32 to vector<512x64xi32>
    %slice3A_62 = vector.extract_strided_slice %add3A_59 {offsets = [0, 0], sizes = [1536, 64], strides = [1, 1]} : vector<2048x64xi32> to vector<1536x64xi32>
    %concatenate3A_63 = tpu.concatenate %broadcast_in_dim3A_61, %slice3A_62 in 0 : vector<512x64xi32>, vector<1536x64xi32> -> vector<2048x64xi32>
    %add3A_64 = arith.addi %add3A_59, %concatenate3A_63 : vector<2048x64xi32>
    %broadcast_in_dim3A_65 = arith.constant 0 : i32
    %broadcast_in_dim3A_66 = vector.broadcast %broadcast_in_dim3A_65 : i32 to vector<1024x64xi32>
    %slice3A_67 = vector.extract_strided_slice %add3A_64 {offsets = [0, 0], sizes = [1024, 64], strides = [1, 1]} : vector<2048x64xi32> to vector<1024x64xi32>
    %concatenate3A_68 = tpu.concatenate %broadcast_in_dim3A_66, %slice3A_67 in 0 : vector<1024x64xi32>, vector<1024x64xi32> -> vector<2048x64xi32>
    %add3A_69 = arith.addi %add3A_64, %concatenate3A_68 : vector<2048x64xi32>
    %sub3A = arith.subi %add3A_69, %convert_element_type3A : vector<2048x64xi32>
    %convert_element_type3A_70 = arith.sitofp %convert_element_type3A : vector<2048x64xi32> to vector<2048x64xf32>
    %reduce_sum3A = arith.constant dense<0.000000e+00> : vector<64xf32>
    %reduce_sum3A_71 = vector.multi_reduction <add>, %convert_element_type3A_70, %reduce_sum3A [0] : vector<2048x64xf32> to vector<64xf32>
    %broadcast_in_dim3A_72 = vector.shape_cast %reduce_sum3A_71 : vector<64xf32> to vector<1x64xf32>
    %iota3A_73 = tpu.iota {dimensions = array<i32: 0>} : vector<64x64xi32>
    %iota3A_74 = tpu.iota {dimensions = array<i32: 1>} : vector<64x64xi32>
    %lt3A = arith.cmpi slt, %iota3A_73, %iota3A_74 : vector<64x64xi32>
    %convert_element_type3A_75 = arith.extui %lt3A : vector<64x64xi1> to vector<64x64xi32>
    %convert_element_type3A_76 = arith.sitofp %convert_element_type3A_75 : vector<64x64xi32> to vector<64x64xf32>
    %dot_general3A_77 = arith.constant dense<0.000000e+00> : vector<1x64xf32>
    %dot_general3A_78 = tpu.matmul %broadcast_in_dim3A_72, %convert_element_type3A_76, %dot_general3A_77 {dimension_numbers = #tpu.dot_dimension_numbers<[1], [0], [0], [1], [0, 0, 1, 1], [], []>, transpose_lhs_hint = false} : vector<1x64xf32>, vector<64x64xf32>, vector<1x64xf32> -> vector<1x64xf32>
    %convert_element_type3A_79 = arith.fptosi %dot_general3A_78 : vector<1x64xf32> to vector<1x64xi32>
    %add3A_80 = vector.broadcast %convert_element_type3A_79 : vector<1x64xi32> to vector<2048x64xi32>
    %add3A_81 = arith.addi %sub3A, %add3A_80 : vector<2048x64xi32>
    %mul3A = arith.muli %convert_element_type3A, %add3A_81 : vector<2048x64xi32>
    %reduce_sum3A_82 = arith.constant dense<0> : vector<2048xi32>
    %reduce_sum3A_83 = vector.multi_reduction <add>, %mul3A, %reduce_sum3A_82 [1] : vector<2048x64xi32> to vector<2048xi32>
    %broadcast_in_dim3A_84 = vector.shape_cast %reduce_sum3A_83 : vector<2048xi32> to vector<2048x1xi32>
    %swap3A = arith.constant 0 : index
    %swap3A_85 = arith.constant 0 : index
    %swap3A_86 = vector.load %arg3[%swap3A, %swap3A_85] : memref<2048x1xi32, #tpu.memory_space<vmem>>, vector<2048x1xi32>
    tpu.vector_store %arg3[%swap3A, %swap3A_85], %broadcast_in_dim3A_84 {strides = array<i32>} : memref<2048x1xi32, #tpu.memory_space<vmem>>, vector<2048x1xi32>,
    %swap3A_87 = arith.constant 0 : index
    %swap3A_88 = arith.constant 0 : index
    %swap3A_89 = vector.load %arg4[%swap3A_87, %swap3A_88] : memref<1x64xi32, #tpu.memory_space<vmem>>, vector<1x64xi32>
    tpu.vector_store %arg4[%swap3A_87, %swap3A_88], %convert_element_type3A_79 {strides = array<i32>} : memref<1x64xi32, #tpu.memory_space<vmem>>, vector<1x64xi32>,
    return
  }
}

module attributes {stable_mosaic.version = 14 : i64} {
  func.func @_mlp_body(%arg0: i32, %arg1: memref<65xi32, #tpu.memory_space<smem>>, %arg2: memref<2048x1024xf32, #tpu.memory_space<vmem>>, %arg3: memref<4x512x1024xf32, #tpu.memory_space<vmem>>, %arg4: memref<4x1x512xf32, #tpu.memory_space<vmem>>, %arg5: memref<4x1024x512xf32, #tpu.memory_space<vmem>>, %arg6: memref<4x1x1024xf32, #tpu.memory_space<vmem>>, %arg7: memref<512x1024xf32, #tpu.memory_space<vmem>>, %arg8: memref<1x512xf32, #tpu.memory_space<vmem>>, %arg9: memref<1024x512xf32, #tpu.memory_space<vmem>>, %arg10: memref<1x1024xf32, #tpu.memory_space<vmem>>, %arg11: memref<2048x1024xf32, #tpu.memory_space<vmem>>) attributes {dimension_semantics = [#tpu.dimension_semantics<arbitrary>], iteration_bounds = array<i64: 16>, scalar_prefetch = 1 : i64, scratch_operands = 0 : i64, tpu.core_type = #tpu.core_type<tc>, window_params = [{pipeline_mode = #tpu.pipeline_mode<synchronous>, transform_indices = @transform_0, window_bounds = array<i64: 2048, 1024>}, {transform_indices = @transform_1, window_bounds = array<i64: 4, 512, 1024>}, {transform_indices = @transform_2, window_bounds = array<i64: 4, 1, 512>}, {transform_indices = @transform_3, window_bounds = array<i64: 4, 1024, 512>}, {transform_indices = @transform_4, window_bounds = array<i64: 4, 1, 1024>}, {pipeline_mode = #tpu.pipeline_mode<synchronous>, transform_indices = @transform_5, window_bounds = array<i64: 512, 1024>}, {pipeline_mode = #tpu.pipeline_mode<synchronous>, transform_indices = @transform_6, window_bounds = array<i64: 1, 512>}, {pipeline_mode = #tpu.pipeline_mode<synchronous>, transform_indices = @transform_7, window_bounds = array<i64: 1024, 512>}, {pipeline_mode = #tpu.pipeline_mode<synchronous>, transform_indices = @transform_8, window_bounds = array<i64: 1, 1024>}, {pipeline_mode = #tpu.pipeline_mode<synchronous>, transform_indices = @transform_9, window_bounds = array<i64: 2048, 1024>}]} {
    %mul3A = arith.constant 4 : i32
    %mul3A_0 = arith.muli %arg0, %mul3A : i32
    %add3A = arith.constant 0 : i32
    %add3A_1 = arith.addi %mul3A_0, %add3A : i32
    %get3A = arith.index_cast %add3A_1 : i32 to index
    %get3A_2 = memref.load %arg1[%get3A] : memref<65xi32, #tpu.memory_space<smem>>
    %add3A_3 = arith.constant 0 : i32
    %add3A_4 = arith.addi %mul3A_0, %add3A_3 : i32
    %add3A_5 = arith.constant 1 : i32
    %add3A_6 = arith.addi %add3A_4, %add3A_5 : i32
    %get3A_7 = arith.index_cast %add3A_6 : i32 to index
    %get3A_8 = memref.load %arg1[%get3A_7] : memref<65xi32, #tpu.memory_space<smem>>
    %jit3A = arith.constant 8 : i32
    %div3A = arith.divsi %get3A_2, %jit3A : i32
    %sign3A = arith.constant 0 : i32
    %sign3A_9 = arith.cmpi sgt, %get3A_2, %sign3A : i32
    %sign3A_10 = arith.extui %sign3A_9 : i1 to i32
    %sign3A_11 = arith.constant 0 : i32
    %sign3A_12 = arith.cmpi slt, %get3A_2, %sign3A_11 : i32
    %sign3A_13 = arith.extui %sign3A_12 : i1 to i32
    %sign3A_14 = arith.subi %sign3A_10, %sign3A_13 : i32
    %sign3A_15 = arith.constant 0 : i32
    %sign3A_16 = arith.cmpi sgt, %jit3A, %sign3A_15 : i32
    %sign3A_17 = arith.extui %sign3A_16 : i1 to i32
    %sign3A_18 = arith.constant 0 : i32
    %sign3A_19 = arith.cmpi slt, %jit3A, %sign3A_18 : i32
    %sign3A_20 = arith.extui %sign3A_19 : i1 to i32
    %sign3A_21 = arith.subi %sign3A_17, %sign3A_20 : i32
    %ne3A = arith.cmpi ne, %sign3A_14, %sign3A_21 : i32
    %rem3A = arith.remsi %get3A_2, %jit3A : i32
    %ne3A_22 = arith.constant 0 : i32
    %ne3A_23 = arith.cmpi ne, %rem3A, %ne3A_22 : i32
    %and3A = arith.andi %ne3A, %ne3A_23 : i1
    %sub3A = arith.constant 1 : i32
    %sub3A_24 = arith.subi %div3A, %sub3A : i32
    %select_n3A = arith.select %and3A, %sub3A_24, %div3A : i32
    %mul3A_25 = arith.constant 8 : i32
    %mul3A_26 = arith.muli %select_n3A, %mul3A_25 : i32
    %sub3A_27 = arith.subi %get3A_8, %mul3A_26 : i32
    %add3A_28 = arith.constant 64 : i32
    %add3A_29 = arith.addi %sub3A_27, %add3A_28 : i32
    %sub3A_30 = arith.constant 1 : i32
    %sub3A_31 = arith.subi %add3A_29, %sub3A_30 : i32
    %jit3A_32 = arith.constant 64 : i32
    %div3A_33 = arith.divsi %sub3A_31, %jit3A_32 : i32
    %sign3A_34 = arith.constant 0 : i32
    %sign3A_35 = arith.cmpi sgt, %sub3A_31, %sign3A_34 : i32
    %sign3A_36 = arith.extui %sign3A_35 : i1 to i32
    %sign3A_37 = arith.constant 0 : i32
    %sign3A_38 = arith.cmpi slt, %sub3A_31, %sign3A_37 : i32
    %sign3A_39 = arith.extui %sign3A_38 : i1 to i32
    %sign3A_40 = arith.subi %sign3A_36, %sign3A_39 : i32
    %sign3A_41 = arith.constant 0 : i32
    %sign3A_42 = arith.cmpi sgt, %jit3A_32, %sign3A_41 : i32
    %sign3A_43 = arith.extui %sign3A_42 : i1 to i32
    %sign3A_44 = arith.constant 0 : i32
    %sign3A_45 = arith.cmpi slt, %jit3A_32, %sign3A_44 : i32
    %sign3A_46 = arith.extui %sign3A_45 : i1 to i32
    %sign3A_47 = arith.subi %sign3A_43, %sign3A_46 : i32
    %ne3A_48 = arith.cmpi ne, %sign3A_40, %sign3A_47 : i32
    %rem3A_49 = arith.remsi %sub3A_31, %jit3A_32 : i32
    %ne3A_50 = arith.constant 0 : i32
    %ne3A_51 = arith.cmpi ne, %rem3A_49, %ne3A_50 : i32
    %and3A_52 = arith.andi %ne3A_48, %ne3A_51 : i1
    %sub3A_53 = arith.constant 1 : i32
    %sub3A_54 = arith.subi %div3A_33, %sub3A_53 : i32
    %select_n3A_55 = arith.select %and3A_52, %sub3A_54, %div3A_33 : i32
    %while3A = arith.constant 0 : i32
    %while3A_56 = arith.constant 0 : i32
    %while3A_57 = arith.subi %select_n3A_55, %while3A_56 : i32
    %while3A_58 = arith.addi %while3A_56, %while3A_57 : i32
    %while3A_59 = arith.constant 1 : i32
    %while3A_60 = arith.divsi %while3A_57, %while3A_59 : i32
    %while3A_61 = arith.muli %while3A_60, %while3A_59 : i32
    %while3A_62 = arith.addi %while3A_56, %while3A_61 : i32
    %while3A_63 = arith.constant 1 : i32
    scf.for %while3A_290 = %while3A_56 to %while3A_62 step %while3A_63  : i32 {
      %mul3A_291 = arith.constant 64 : i32
      %mul3A_292 = arith.muli %while3A_290, %mul3A_291 : i32
      %add3A_293 = arith.addi %mul3A_26, %mul3A_292 : i32
      %min3A = arith.constant 1984 : i32
      %min3A_294 = arith.minsi %add3A_293, %min3A : i32
      %multiple_of3A = tpu.assume_multiple %min3A_294, 8 : i32
      %get3A_295 = arith.index_cast %multiple_of3A : i32 to index
      %get3A_296 = arith.constant 0 : index
      %get3A_297 = vector.load %arg2[%get3A_295, %get3A_296] : memref<2048x1024xf32, #tpu.memory_space<vmem>>, vector<64x1024xf32>
      %get3A_298 = arith.constant 0 : index
      %get3A_299 = arith.constant 0 : index
      %get3A_300 = arith.constant 0 : index
      %get3A_301 = vector.load %arg3[%get3A_298, %get3A_299, %get3A_300] : memref<4x512x1024xf32, #tpu.memory_space<vmem>>, vector<1x512x1024xf32>
      %get3A_302 = vector.shape_cast %get3A_301 : vector<1x512x1024xf32> to vector<512x1024xf32>
      %dot_general3A = arith.constant dense<0.000000e+00> : vector<64x512xf32>
      %dot_general3A_303 = tpu.matmul %get3A_297, %get3A_302, %dot_general3A {dimension_numbers = #tpu.dot_dimension_numbers<[1], [1], [0], [0], [0, 0, 1, 0], [], []>, transpose_lhs_hint = false} : vector<64x1024xf32>, vector<512x1024xf32>, vector<64x512xf32> -> vector<64x512xf32>
      %get3A_304 = arith.constant 0 : index
      %get3A_305 = arith.constant 0 : index
      %get3A_306 = arith.constant 0 : index
      %get3A_307 = vector.load %arg4[%get3A_304, %get3A_305, %get3A_306] : memref<4x1x512xf32, #tpu.memory_space<vmem>>, vector<1x1x512xf32>
      %get3A_308 = vector.shape_cast %get3A_307 : vector<1x1x512xf32> to vector<1x512xf32>
      %add3A_309 = vector.broadcast %get3A_308 : vector<1x512xf32> to vector<64x512xf32>
      %add3A_310 = arith.addf %dot_general3A_303, %add3A_309 : vector<64x512xf32>
      %mul3A_311 = arith.constant 5.000000e-01 : f32
      %mul3A_312 = vector.broadcast %mul3A_311 : f32 to vector<64x512xf32>
      %mul3A_313 = arith.mulf %mul3A_312, %add3A_310 : vector<64x512xf32>
      %mul3A_314 = arith.constant 0.707106769 : f32
      %mul3A_315 = vector.broadcast %mul3A_314 : f32 to vector<64x512xf32>
      %mul3A_316 = arith.mulf %add3A_310, %mul3A_315 : vector<64x512xf32>
      %erf3A = math.erf %mul3A_316 : vector<64x512xf32>
      %add3A_317 = arith.constant 1.000000e+00 : f32
      %add3A_318 = vector.broadcast %add3A_317 : f32 to vector<64x512xf32>
      %add3A_319 = arith.addf %add3A_318, %erf3A : vector<64x512xf32>
      %mul3A_320 = arith.mulf %mul3A_313, %add3A_319 : vector<64x512xf32>
      %get3A_321 = arith.constant 0 : index
      %get3A_322 = arith.constant 0 : index
      %get3A_323 = arith.constant 0 : index
      %get3A_324 = vector.load %arg5[%get3A_321, %get3A_322, %get3A_323] : memref<4x1024x512xf32, #tpu.memory_space<vmem>>, vector<1x1024x512xf32>
      %get3A_325 = vector.shape_cast %get3A_324 : vector<1x1024x512xf32> to vector<1024x512xf32>
      %dot_general3A_326 = arith.constant dense<0.000000e+00> : vector<64x1024xf32>
      %dot_general3A_327 = tpu.matmul %mul3A_320, %get3A_325, %dot_general3A_326 {dimension_numbers = #tpu.dot_dimension_numbers<[1], [1], [0], [0], [0, 0, 1, 0], [], []>, transpose_lhs_hint = false} : vector<64x512xf32>, vector<1024x512xf32>, vector<64x1024xf32> -> vector<64x1024xf32>
      %get3A_328 = arith.constant 0 : index
      %get3A_329 = arith.constant 0 : index
      %get3A_330 = arith.constant 0 : index
      %get3A_331 = vector.load %arg6[%get3A_328, %get3A_329, %get3A_330] : memref<4x1x1024xf32, #tpu.memory_space<vmem>>, vector<1x1x1024xf32>
      %get3A_332 = vector.shape_cast %get3A_331 : vector<1x1x1024xf32> to vector<1x1024xf32>
      %add3A_333 = vector.broadcast %get3A_332 : vector<1x1024xf32> to vector<64x1024xf32>
      %add3A_334 = arith.addf %dot_general3A_327, %add3A_333 : vector<64x1024xf32>
      %get3A_335 = arith.constant 0 : index
      %get3A_336 = arith.constant 0 : index
      %get3A_337 = vector.load %arg7[%get3A_335, %get3A_336] : memref<512x1024xf32, #tpu.memory_space<vmem>>, vector<512x1024xf32>
      %dot_general3A_338 = arith.constant dense<0.000000e+00> : vector<64x512xf32>
      %dot_general3A_339 = tpu.matmul %get3A_297, %get3A_337, %dot_general3A_338 {dimension_numbers = #tpu.dot_dimension_numbers<[1], [1], [0], [0], [0, 0, 1, 0], [], []>, transpose_lhs_hint = false} : vector<64x1024xf32>, vector<512x1024xf32>, vector<64x512xf32> -> vector<64x512xf32>
      %get3A_340 = arith.constant 0 : index
      %get3A_341 = arith.constant 0 : index
      %get3A_342 = vector.load %arg8[%get3A_340, %get3A_341] : memref<1x512xf32, #tpu.memory_space<vmem>>, vector<1x512xf32>
      %add3A_343 = vector.broadcast %get3A_342 : vector<1x512xf32> to vector<64x512xf32>
      %add3A_344 = arith.addf %dot_general3A_339, %add3A_343 : vector<64x512xf32>
      %mul3A_345 = arith.constant 5.000000e-01 : f32
      %mul3A_346 = vector.broadcast %mul3A_345 : f32 to vector<64x512xf32>
      %mul3A_347 = arith.mulf %mul3A_346, %add3A_344 : vector<64x512xf32>
      %mul3A_348 = arith.constant 0.707106769 : f32
      %mul3A_349 = vector.broadcast %mul3A_348 : f32 to vector<64x512xf32>
      %mul3A_350 = arith.mulf %add3A_344, %mul3A_349 : vector<64x512xf32>
      %erf3A_351 = math.erf %mul3A_350 : vector<64x512xf32>
      %add3A_352 = arith.constant 1.000000e+00 : f32
      %add3A_353 = vector.broadcast %add3A_352 : f32 to vector<64x512xf32>
      %add3A_354 = arith.addf %add3A_353, %erf3A_351 : vector<64x512xf32>
      %mul3A_355 = arith.mulf %mul3A_347, %add3A_354 : vector<64x512xf32>
      %get3A_356 = arith.constant 0 : index
      %get3A_357 = arith.constant 0 : index
      %get3A_358 = vector.load %arg9[%get3A_356, %get3A_357] : memref<1024x512xf32, #tpu.memory_space<vmem>>, vector<1024x512xf32>
      %dot_general3A_359 = arith.constant dense<0.000000e+00> : vector<64x1024xf32>
      %dot_general3A_360 = tpu.matmul %mul3A_355, %get3A_358, %dot_general3A_359 {dimension_numbers = #tpu.dot_dimension_numbers<[1], [1], [0], [0], [0, 0, 1, 0], [], []>, transpose_lhs_hint = false} : vector<64x512xf32>, vector<1024x512xf32>, vector<64x1024xf32> -> vector<64x1024xf32>
      %add3A_361 = arith.addf %add3A_334, %dot_general3A_360 : vector<64x1024xf32>
      %get3A_362 = arith.constant 0 : index
      %get3A_363 = arith.constant 0 : index
      %get3A_364 = vector.load %arg10[%get3A_362, %get3A_363] : memref<1x1024xf32, #tpu.memory_space<vmem>>, vector<1x1024xf32>
      %add3A_365 = vector.broadcast %get3A_364 : vector<1x1024xf32> to vector<64x1024xf32>
      %add3A_366 = arith.addf %add3A_361, %add3A_365 : vector<64x1024xf32>
      %iota3A = tpu.iota {dimensions = array<i32: 0>} : vector<64x1xi32>
      %add3A_367 = vector.broadcast %multiple_of3A : i32 to vector<64x1xi32>
      %add3A_368 = arith.addi %add3A_367, %iota3A : vector<64x1xi32>
      %ge3A = vector.broadcast %get3A_2 : i32 to vector<64x1xi32>
      %ge3A_369 = arith.cmpi sge, %add3A_368, %ge3A : vector<64x1xi32>
      %lt3A = vector.broadcast %get3A_8 : i32 to vector<64x1xi32>
      %lt3A_370 = arith.cmpi slt, %add3A_368, %lt3A : vector<64x1xi32>
      %and3A_371 = arith.andi %ge3A_369, %lt3A_370 : vector<64x1xi1>
      %get3A_372 = arith.index_cast %multiple_of3A : i32 to index
      %get3A_373 = arith.constant 0 : index
      %get3A_374 = vector.load %arg11[%get3A_372, %get3A_373] : memref<2048x1024xf32, #tpu.memory_space<vmem>>, vector<64x1024xf32>
      %broadcast_in_dim3A = vector.shape_cast %and3A_371 : vector<64x1xi1> to vector<64x1xi1>
      %broadcast_in_dim3A_375 = vector.broadcast %broadcast_in_dim3A : vector<64x1xi1> to vector<64x1024xi1>
      %select_n3A_376 = arith.select %broadcast_in_dim3A_375, %add3A_366, %get3A_374 : vector<64x1024xi1>, vector<64x1024xf32>
      %swap3A = arith.index_cast %multiple_of3A : i32 to index
      %swap3A_377 = arith.constant 0 : index
      %swap3A_378 = vector.load %arg11[%swap3A, %swap3A_377] : memref<2048x1024xf32, #tpu.memory_space<vmem>>, vector<64x1024xf32>
      tpu.vector_store %arg11[%swap3A, %swap3A_377], %select_n3A_376 {strides = array<i32>} : memref<2048x1024xf32, #tpu.memory_space<vmem>>, vector<64x1024xf32>,
    }
    %while3A_64 = arith.constant 1 : i32
    scf.for %while3A_290 = %while3A_62 to %while3A_58 step %while3A_64  : i32 {
      %mul3A_291 = arith.constant 64 : i32
      %mul3A_292 = arith.muli %while3A_290, %mul3A_291 : i32
      %add3A_293 = arith.addi %mul3A_26, %mul3A_292 : i32
      %min3A = arith.constant 1984 : i32
      %min3A_294 = arith.minsi %add3A_293, %min3A : i32
      %multiple_of3A = tpu.assume_multiple %min3A_294, 8 : i32
      %get3A_295 = arith.index_cast %multiple_of3A : i32 to index
      %get3A_296 = arith.constant 0 : index
      %get3A_297 = vector.load %arg2[%get3A_295, %get3A_296] : memref<2048x1024xf32, #tpu.memory_space<vmem>>, vector<64x1024xf32>
      %get3A_298 = arith.constant 0 : index
      %get3A_299 = arith.constant 0 : index
      %get3A_300 = arith.constant 0 : index
      %get3A_301 = vector.load %arg3[%get3A_298, %get3A_299, %get3A_300] : memref<4x512x1024xf32, #tpu.memory_space<vmem>>, vector<1x512x1024xf32>
      %get3A_302 = vector.shape_cast %get3A_301 : vector<1x512x1024xf32> to vector<512x1024xf32>
      %dot_general3A = arith.constant dense<0.000000e+00> : vector<64x512xf32>
      %dot_general3A_303 = tpu.matmul %get3A_297, %get3A_302, %dot_general3A {dimension_numbers = #tpu.dot_dimension_numbers<[1], [1], [0], [0], [0, 0, 1, 0], [], []>, transpose_lhs_hint = false} : vector<64x1024xf32>, vector<512x1024xf32>, vector<64x512xf32> -> vector<64x512xf32>
      %get3A_304 = arith.constant 0 : index
      %get3A_305 = arith.constant 0 : index
      %get3A_306 = arith.constant 0 : index
      %get3A_307 = vector.load %arg4[%get3A_304, %get3A_305, %get3A_306] : memref<4x1x512xf32, #tpu.memory_space<vmem>>, vector<1x1x512xf32>
      %get3A_308 = vector.shape_cast %get3A_307 : vector<1x1x512xf32> to vector<1x512xf32>
      %add3A_309 = vector.broadcast %get3A_308 : vector<1x512xf32> to vector<64x512xf32>
      %add3A_310 = arith.addf %dot_general3A_303, %add3A_309 : vector<64x512xf32>
      %mul3A_311 = arith.constant 5.000000e-01 : f32
      %mul3A_312 = vector.broadcast %mul3A_311 : f32 to vector<64x512xf32>
      %mul3A_313 = arith.mulf %mul3A_312, %add3A_310 : vector<64x512xf32>
      %mul3A_314 = arith.constant 0.707106769 : f32
      %mul3A_315 = vector.broadcast %mul3A_314 : f32 to vector<64x512xf32>
      %mul3A_316 = arith.mulf %add3A_310, %mul3A_315 : vector<64x512xf32>
      %erf3A = math.erf %mul3A_316 : vector<64x512xf32>
      %add3A_317 = arith.constant 1.000000e+00 : f32
      %add3A_318 = vector.broadcast %add3A_317 : f32 to vector<64x512xf32>
      %add3A_319 = arith.addf %add3A_318, %erf3A : vector<64x512xf32>
      %mul3A_320 = arith.mulf %mul3A_313, %add3A_319 : vector<64x512xf32>
      %get3A_321 = arith.constant 0 : index
      %get3A_322 = arith.constant 0 : index
      %get3A_323 = arith.constant 0 : index
      %get3A_324 = vector.load %arg5[%get3A_321, %get3A_322, %get3A_323] : memref<4x1024x512xf32, #tpu.memory_space<vmem>>, vector<1x1024x512xf32>
      %get3A_325 = vector.shape_cast %get3A_324 : vector<1x1024x512xf32> to vector<1024x512xf32>
      %dot_general3A_326 = arith.constant dense<0.000000e+00> : vector<64x1024xf32>
      %dot_general3A_327 = tpu.matmul %mul3A_320, %get3A_325, %dot_general3A_326 {dimension_numbers = #tpu.dot_dimension_numbers<[1], [1], [0], [0], [0, 0, 1, 0], [], []>, transpose_lhs_hint = false} : vector<64x512xf32>, vector<1024x512xf32>, vector<64x1024xf32> -> vector<64x1024xf32>
      %get3A_328 = arith.constant 0 : index
      %get3A_329 = arith.constant 0 : index
      %get3A_330 = arith.constant 0 : index
      %get3A_331 = vector.load %arg6[%get3A_328, %get3A_329, %get3A_330] : memref<4x1x1024xf32, #tpu.memory_space<vmem>>, vector<1x1x1024xf32>
      %get3A_332 = vector.shape_cast %get3A_331 : vector<1x1x1024xf32> to vector<1x1024xf32>
      %add3A_333 = vector.broadcast %get3A_332 : vector<1x1024xf32> to vector<64x1024xf32>
      %add3A_334 = arith.addf %dot_general3A_327, %add3A_333 : vector<64x1024xf32>
      %get3A_335 = arith.constant 0 : index
      %get3A_336 = arith.constant 0 : index
      %get3A_337 = vector.load %arg7[%get3A_335, %get3A_336] : memref<512x1024xf32, #tpu.memory_space<vmem>>, vector<512x1024xf32>
      %dot_general3A_338 = arith.constant dense<0.000000e+00> : vector<64x512xf32>
      %dot_general3A_339 = tpu.matmul %get3A_297, %get3A_337, %dot_general3A_338 {dimension_numbers = #tpu.dot_dimension_numbers<[1], [1], [0], [0], [0, 0, 1, 0], [], []>, transpose_lhs_hint = false} : vector<64x1024xf32>, vector<512x1024xf32>, vector<64x512xf32> -> vector<64x512xf32>
      %get3A_340 = arith.constant 0 : index
      %get3A_341 = arith.constant 0 : index
      %get3A_342 = vector.load %arg8[%get3A_340, %get3A_341] : memref<1x512xf32, #tpu.memory_space<vmem>>, vector<1x512xf32>
      %add3A_343 = vector.broadcast %get3A_342 : vector<1x512xf32> to vector<64x512xf32>
      %add3A_344 = arith.addf %dot_general3A_339, %add3A_343 : vector<64x512xf32>
      %mul3A_345 = arith.constant 5.000000e-01 : f32
      %mul3A_346 = vector.broadcast %mul3A_345 : f32 to vector<64x512xf32>
      %mul3A_347 = arith.mulf %mul3A_346, %add3A_344 : vector<64x512xf32>
      %mul3A_348 = arith.constant 0.707106769 : f32
      %mul3A_349 = vector.broadcast %mul3A_348 : f32 to vector<64x512xf32>
      %mul3A_350 = arith.mulf %add3A_344, %mul3A_349 : vector<64x512xf32>
      %erf3A_351 = math.erf %mul3A_350 : vector<64x512xf32>
      %add3A_352 = arith.constant 1.000000e+00 : f32
      %add3A_353 = vector.broadcast %add3A_352 : f32 to vector<64x512xf32>
      %add3A_354 = arith.addf %add3A_353, %erf3A_351 : vector<64x512xf32>
      %mul3A_355 = arith.mulf %mul3A_347, %add3A_354 : vector<64x512xf32>
      %get3A_356 = arith.constant 0 : index
      %get3A_357 = arith.constant 0 : index
      %get3A_358 = vector.load %arg9[%get3A_356, %get3A_357] : memref<1024x512xf32, #tpu.memory_space<vmem>>, vector<1024x512xf32>
      %dot_general3A_359 = arith.constant dense<0.000000e+00> : vector<64x1024xf32>
      %dot_general3A_360 = tpu.matmul %mul3A_355, %get3A_358, %dot_general3A_359 {dimension_numbers = #tpu.dot_dimension_numbers<[1], [1], [0], [0], [0, 0, 1, 0], [], []>, transpose_lhs_hint = false} : vector<64x512xf32>, vector<1024x512xf32>, vector<64x1024xf32> -> vector<64x1024xf32>
      %add3A_361 = arith.addf %add3A_334, %dot_general3A_360 : vector<64x1024xf32>
      %get3A_362 = arith.constant 0 : index
      %get3A_363 = arith.constant 0 : index
      %get3A_364 = vector.load %arg10[%get3A_362, %get3A_363] : memref<1x1024xf32, #tpu.memory_space<vmem>>, vector<1x1024xf32>
      %add3A_365 = vector.broadcast %get3A_364 : vector<1x1024xf32> to vector<64x1024xf32>
      %add3A_366 = arith.addf %add3A_361, %add3A_365 : vector<64x1024xf32>
      %iota3A = tpu.iota {dimensions = array<i32: 0>} : vector<64x1xi32>
      %add3A_367 = vector.broadcast %multiple_of3A : i32 to vector<64x1xi32>
      %add3A_368 = arith.addi %add3A_367, %iota3A : vector<64x1xi32>
      %ge3A = vector.broadcast %get3A_2 : i32 to vector<64x1xi32>
      %ge3A_369 = arith.cmpi sge, %add3A_368, %ge3A : vector<64x1xi32>
      %lt3A = vector.broadcast %get3A_8 : i32 to vector<64x1xi32>
      %lt3A_370 = arith.cmpi slt, %add3A_368, %lt3A : vector<64x1xi32>
      %and3A_371 = arith.andi %ge3A_369, %lt3A_370 : vector<64x1xi1>
      %get3A_372 = arith.index_cast %multiple_of3A : i32 to index
      %get3A_373 = arith.constant 0 : index
      %get3A_374 = vector.load %arg11[%get3A_372, %get3A_373] : memref<2048x1024xf32, #tpu.memory_space<vmem>>, vector<64x1024xf32>
      %broadcast_in_dim3A = vector.shape_cast %and3A_371 : vector<64x1xi1> to vector<64x1xi1>
      %broadcast_in_dim3A_375 = vector.broadcast %broadcast_in_dim3A : vector<64x1xi1> to vector<64x1024xi1>
      %select_n3A_376 = arith.select %broadcast_in_dim3A_375, %add3A_366, %get3A_374 : vector<64x1024xi1>, vector<64x1024xf32>
      %swap3A = arith.index_cast %multiple_of3A : i32 to index
      %swap3A_377 = arith.constant 0 : index
      %swap3A_378 = vector.load %arg11[%swap3A, %swap3A_377] : memref<2048x1024xf32, #tpu.memory_space<vmem>>, vector<64x1024xf32>
      tpu.vector_store %arg11[%swap3A, %swap3A_377], %select_n3A_376 {strides = array<i32>} : memref<2048x1024xf32, #tpu.memory_space<vmem>>, vector<64x1024xf32>,
    }
    %add3A_65 = arith.constant 1 : i32
    %add3A_66 = arith.addi %mul3A_0, %add3A_65 : i32
    %get3A_67 = arith.index_cast %add3A_66 : i32 to index
    %get3A_68 = memref.load %arg1[%get3A_67] : memref<65xi32, #tpu.memory_space<smem>>
    %add3A_69 = arith.constant 1 : i32
    %add3A_70 = arith.addi %mul3A_0, %add3A_69 : i32
    %add3A_71 = arith.constant 1 : i32
    %add3A_72 = arith.addi %add3A_70, %add3A_71 : i32
    %get3A_73 = arith.index_cast %add3A_72 : i32 to index
    %get3A_74 = memref.load %arg1[%get3A_73] : memref<65xi32, #tpu.memory_space<smem>>
    %jit3A_75 = arith.constant 8 : i32
    %div3A_76 = arith.divsi %get3A_68, %jit3A_75 : i32
    %sign3A_77 = arith.constant 0 : i32
    %sign3A_78 = arith.cmpi sgt, %get3A_68, %sign3A_77 : i32
    %sign3A_79 = arith.extui %sign3A_78 : i1 to i32
    %sign3A_80 = arith.constant 0 : i32
    %sign3A_81 = arith.cmpi slt, %get3A_68, %sign3A_80 : i32
    %sign3A_82 = arith.extui %sign3A_81 : i1 to i32
    %sign3A_83 = arith.subi %sign3A_79, %sign3A_82 : i32
    %sign3A_84 = arith.constant 0 : i32
    %sign3A_85 = arith.cmpi sgt, %jit3A_75, %sign3A_84 : i32
    %sign3A_86 = arith.extui %sign3A_85 : i1 to i32
    %sign3A_87 = arith.constant 0 : i32
    %sign3A_88 = arith.cmpi slt, %jit3A_75, %sign3A_87 : i32
    %sign3A_89 = arith.extui %sign3A_88 : i1 to i32
    %sign3A_90 = arith.subi %sign3A_86, %sign3A_89 : i32
    %ne3A_91 = arith.cmpi ne, %sign3A_83, %sign3A_90 : i32
    %rem3A_92 = arith.remsi %get3A_68, %jit3A_75 : i32
    %ne3A_93 = arith.constant 0 : i32
    %ne3A_94 = arith.cmpi ne, %rem3A_92, %ne3A_93 : i32
    %and3A_95 = arith.andi %ne3A_91, %ne3A_94 : i1
    %sub3A_96 = arith.constant 1 : i32
    %sub3A_97 = arith.subi %div3A_76, %sub3A_96 : i32
    %select_n3A_98 = arith.select %and3A_95, %sub3A_97, %div3A_76 : i32
    %mul3A_99 = arith.constant 8 : i32
    %mul3A_100 = arith.muli %select_n3A_98, %mul3A_99 : i32
    %sub3A_101 = arith.subi %get3A_74, %mul3A_100 : i32
    %add3A_102 = arith.constant 64 : i32
    %add3A_103 = arith.addi %sub3A_101, %add3A_102 : i32
    %sub3A_104 = arith.constant 1 : i32
    %sub3A_105 = arith.subi %add3A_103, %sub3A_104 : i32
    %jit3A_106 = arith.constant 64 : i32
    %div3A_107 = arith.divsi %sub3A_105, %jit3A_106 : i32
    %sign3A_108 = arith.constant 0 : i32
    %sign3A_109 = arith.cmpi sgt, %sub3A_105, %sign3A_108 : i32
    %sign3A_110 = arith.extui %sign3A_109 : i1 to i32
    %sign3A_111 = arith.constant 0 : i32
    %sign3A_112 = arith.cmpi slt, %sub3A_105, %sign3A_111 : i32
    %sign3A_113 = arith.extui %sign3A_112 : i1 to i32
    %sign3A_114 = arith.subi %sign3A_110, %sign3A_113 : i32
    %sign3A_115 = arith.constant 0 : i32
    %sign3A_116 = arith.cmpi sgt, %jit3A_106, %sign3A_115 : i32
    %sign3A_117 = arith.extui %sign3A_116 : i1 to i32
    %sign3A_118 = arith.constant 0 : i32
    %sign3A_119 = arith.cmpi slt, %jit3A_106, %sign3A_118 : i32
    %sign3A_120 = arith.extui %sign3A_119 : i1 to i32
    %sign3A_121 = arith.subi %sign3A_117, %sign3A_120 : i32
    %ne3A_122 = arith.cmpi ne, %sign3A_114, %sign3A_121 : i32
    %rem3A_123 = arith.remsi %sub3A_105, %jit3A_106 : i32
    %ne3A_124 = arith.constant 0 : i32
    %ne3A_125 = arith.cmpi ne, %rem3A_123, %ne3A_124 : i32
    %and3A_126 = arith.andi %ne3A_122, %ne3A_125 : i1
    %sub3A_127 = arith.constant 1 : i32
    %sub3A_128 = arith.subi %div3A_107, %sub3A_127 : i32
    %select_n3A_129 = arith.select %and3A_126, %sub3A_128, %div3A_107 : i32
    %while3A_130 = arith.constant 0 : i32
    %while3A_131 = arith.constant 0 : i32
    %while3A_132 = arith.subi %select_n3A_129, %while3A_131 : i32
    %while3A_133 = arith.addi %while3A_131, %while3A_132 : i32
    %while3A_134 = arith.constant 1 : i32
    %while3A_135 = arith.divsi %while3A_132, %while3A_134 : i32
    %while3A_136 = arith.muli %while3A_135, %while3A_134 : i32
    %while3A_137 = arith.addi %while3A_131, %while3A_136 : i32
    %while3A_138 = arith.constant 1 : i32
    scf.for %while3A_290 = %while3A_131 to %while3A_137 step %while3A_138  : i32 {
      %mul3A_291 = arith.constant 64 : i32
      %mul3A_292 = arith.muli %while3A_290, %mul3A_291 : i32
      %add3A_293 = arith.addi %mul3A_100, %mul3A_292 : i32
      %min3A = arith.constant 1984 : i32
      %min3A_294 = arith.minsi %add3A_293, %min3A : i32
      %multiple_of3A = tpu.assume_multiple %min3A_294, 8 : i32
      %get3A_295 = arith.index_cast %multiple_of3A : i32 to index
      %get3A_296 = arith.constant 0 : index
      %get3A_297 = vector.load %arg2[%get3A_295, %get3A_296] : memref<2048x1024xf32, #tpu.memory_space<vmem>>, vector<64x1024xf32>
      %get3A_298 = arith.constant 1 : index
      %get3A_299 = arith.constant 0 : index
      %get3A_300 = arith.constant 0 : index
      %get3A_301 = vector.load %arg3[%get3A_298, %get3A_299, %get3A_300] : memref<4x512x1024xf32, #tpu.memory_space<vmem>>, vector<1x512x1024xf32>
      %get3A_302 = vector.shape_cast %get3A_301 : vector<1x512x1024xf32> to vector<512x1024xf32>
      %dot_general3A = arith.constant dense<0.000000e+00> : vector<64x512xf32>
      %dot_general3A_303 = tpu.matmul %get3A_297, %get3A_302, %dot_general3A {dimension_numbers = #tpu.dot_dimension_numbers<[1], [1], [0], [0], [0, 0, 1, 0], [], []>, transpose_lhs_hint = false} : vector<64x1024xf32>, vector<512x1024xf32>, vector<64x512xf32> -> vector<64x512xf32>
      %get3A_304 = arith.constant 1 : index
      %get3A_305 = arith.constant 0 : index
      %get3A_306 = arith.constant 0 : index
      %get3A_307 = vector.load %arg4[%get3A_304, %get3A_305, %get3A_306] : memref<4x1x512xf32, #tpu.memory_space<vmem>>, vector<1x1x512xf32>
      %get3A_308 = vector.shape_cast %get3A_307 : vector<1x1x512xf32> to vector<1x512xf32>
      %add3A_309 = vector.broadcast %get3A_308 : vector<1x512xf32> to vector<64x512xf32>
      %add3A_310 = arith.addf %dot_general3A_303, %add3A_309 : vector<64x512xf32>
      %mul3A_311 = arith.constant 5.000000e-01 : f32
      %mul3A_312 = vector.broadcast %mul3A_311 : f32 to vector<64x512xf32>
      %mul3A_313 = arith.mulf %mul3A_312, %add3A_310 : vector<64x512xf32>
      %mul3A_314 = arith.constant 0.707106769 : f32
      %mul3A_315 = vector.broadcast %mul3A_314 : f32 to vector<64x512xf32>
      %mul3A_316 = arith.mulf %add3A_310, %mul3A_315 : vector<64x512xf32>
      %erf3A = math.erf %mul3A_316 : vector<64x512xf32>
      %add3A_317 = arith.constant 1.000000e+00 : f32
      %add3A_318 = vector.broadcast %add3A_317 : f32 to vector<64x512xf32>
      %add3A_319 = arith.addf %add3A_318, %erf3A : vector<64x512xf32>
      %mul3A_320 = arith.mulf %mul3A_313, %add3A_319 : vector<64x512xf32>
      %get3A_321 = arith.constant 1 : index
      %get3A_322 = arith.constant 0 : index
      %get3A_323 = arith.constant 0 : index
      %get3A_324 = vector.load %arg5[%get3A_321, %get3A_322, %get3A_323] : memref<4x1024x512xf32, #tpu.memory_space<vmem>>, vector<1x1024x512xf32>
      %get3A_325 = vector.shape_cast %get3A_324 : vector<1x1024x512xf32> to vector<1024x512xf32>
      %dot_general3A_326 = arith.constant dense<0.000000e+00> : vector<64x1024xf32>
      %dot_general3A_327 = tpu.matmul %mul3A_320, %get3A_325, %dot_general3A_326 {dimension_numbers = #tpu.dot_dimension_numbers<[1], [1], [0], [0], [0, 0, 1, 0], [], []>, transpose_lhs_hint = false} : vector<64x512xf32>, vector<1024x512xf32>, vector<64x1024xf32> -> vector<64x1024xf32>
      %get3A_328 = arith.constant 1 : index
      %get3A_329 = arith.constant 0 : index
      %get3A_330 = arith.constant 0 : index
      %get3A_331 = vector.load %arg6[%get3A_328, %get3A_329, %get3A_330] : memref<4x1x1024xf32, #tpu.memory_space<vmem>>, vector<1x1x1024xf32>
      %get3A_332 = vector.shape_cast %get3A_331 : vector<1x1x1024xf32> to vector<1x1024xf32>
      %add3A_333 = vector.broadcast %get3A_332 : vector<1x1024xf32> to vector<64x1024xf32>
      %add3A_334 = arith.addf %dot_general3A_327, %add3A_333 : vector<64x1024xf32>
      %get3A_335 = arith.constant 0 : index
      %get3A_336 = arith.constant 0 : index
      %get3A_337 = vector.load %arg7[%get3A_335, %get3A_336] : memref<512x1024xf32, #tpu.memory_space<vmem>>, vector<512x1024xf32>
      %dot_general3A_338 = arith.constant dense<0.000000e+00> : vector<64x512xf32>
      %dot_general3A_339 = tpu.matmul %get3A_297, %get3A_337, %dot_general3A_338 {dimension_numbers = #tpu.dot_dimension_numbers<[1], [1], [0], [0], [0, 0, 1, 0], [], []>, transpose_lhs_hint = false} : vector<64x1024xf32>, vector<512x1024xf32>, vector<64x512xf32> -> vector<64x512xf32>
      %get3A_340 = arith.constant 0 : index
      %get3A_341 = arith.constant 0 : index
      %get3A_342 = vector.load %arg8[%get3A_340, %get3A_341] : memref<1x512xf32, #tpu.memory_space<vmem>>, vector<1x512xf32>
      %add3A_343 = vector.broadcast %get3A_342 : vector<1x512xf32> to vector<64x512xf32>
      %add3A_344 = arith.addf %dot_general3A_339, %add3A_343 : vector<64x512xf32>
      %mul3A_345 = arith.constant 5.000000e-01 : f32
      %mul3A_346 = vector.broadcast %mul3A_345 : f32 to vector<64x512xf32>
      %mul3A_347 = arith.mulf %mul3A_346, %add3A_344 : vector<64x512xf32>
      %mul3A_348 = arith.constant 0.707106769 : f32
      %mul3A_349 = vector.broadcast %mul3A_348 : f32 to vector<64x512xf32>
      %mul3A_350 = arith.mulf %add3A_344, %mul3A_349 : vector<64x512xf32>
      %erf3A_351 = math.erf %mul3A_350 : vector<64x512xf32>
      %add3A_352 = arith.constant 1.000000e+00 : f32
      %add3A_353 = vector.broadcast %add3A_352 : f32 to vector<64x512xf32>
      %add3A_354 = arith.addf %add3A_353, %erf3A_351 : vector<64x512xf32>
      %mul3A_355 = arith.mulf %mul3A_347, %add3A_354 : vector<64x512xf32>
      %get3A_356 = arith.constant 0 : index
      %get3A_357 = arith.constant 0 : index
      %get3A_358 = vector.load %arg9[%get3A_356, %get3A_357] : memref<1024x512xf32, #tpu.memory_space<vmem>>, vector<1024x512xf32>
      %dot_general3A_359 = arith.constant dense<0.000000e+00> : vector<64x1024xf32>
      %dot_general3A_360 = tpu.matmul %mul3A_355, %get3A_358, %dot_general3A_359 {dimension_numbers = #tpu.dot_dimension_numbers<[1], [1], [0], [0], [0, 0, 1, 0], [], []>, transpose_lhs_hint = false} : vector<64x512xf32>, vector<1024x512xf32>, vector<64x1024xf32> -> vector<64x1024xf32>
      %add3A_361 = arith.addf %add3A_334, %dot_general3A_360 : vector<64x1024xf32>
      %get3A_362 = arith.constant 0 : index
      %get3A_363 = arith.constant 0 : index
      %get3A_364 = vector.load %arg10[%get3A_362, %get3A_363] : memref<1x1024xf32, #tpu.memory_space<vmem>>, vector<1x1024xf32>
      %add3A_365 = vector.broadcast %get3A_364 : vector<1x1024xf32> to vector<64x1024xf32>
      %add3A_366 = arith.addf %add3A_361, %add3A_365 : vector<64x1024xf32>
      %iota3A = tpu.iota {dimensions = array<i32: 0>} : vector<64x1xi32>
      %add3A_367 = vector.broadcast %multiple_of3A : i32 to vector<64x1xi32>
      %add3A_368 = arith.addi %add3A_367, %iota3A : vector<64x1xi32>
      %ge3A = vector.broadcast %get3A_68 : i32 to vector<64x1xi32>
      %ge3A_369 = arith.cmpi sge, %add3A_368, %ge3A : vector<64x1xi32>
      %lt3A = vector.broadcast %get3A_74 : i32 to vector<64x1xi32>
      %lt3A_370 = arith.cmpi slt, %add3A_368, %lt3A : vector<64x1xi32>
      %and3A_371 = arith.andi %ge3A_369, %lt3A_370 : vector<64x1xi1>
      %get3A_372 = arith.index_cast %multiple_of3A : i32 to index
      %get3A_373 = arith.constant 0 : index
      %get3A_374 = vector.load %arg11[%get3A_372, %get3A_373] : memref<2048x1024xf32, #tpu.memory_space<vmem>>, vector<64x1024xf32>
      %broadcast_in_dim3A = vector.shape_cast %and3A_371 : vector<64x1xi1> to vector<64x1xi1>
      %broadcast_in_dim3A_375 = vector.broadcast %broadcast_in_dim3A : vector<64x1xi1> to vector<64x1024xi1>
      %select_n3A_376 = arith.select %broadcast_in_dim3A_375, %add3A_366, %get3A_374 : vector<64x1024xi1>, vector<64x1024xf32>
      %swap3A = arith.index_cast %multiple_of3A : i32 to index
      %swap3A_377 = arith.constant 0 : index
      %swap3A_378 = vector.load %arg11[%swap3A, %swap3A_377] : memref<2048x1024xf32, #tpu.memory_space<vmem>>, vector<64x1024xf32>
      tpu.vector_store %arg11[%swap3A, %swap3A_377], %select_n3A_376 {strides = array<i32>} : memref<2048x1024xf32, #tpu.memory_space<vmem>>, vector<64x1024xf32>,
    }
    %while3A_139 = arith.constant 1 : i32
    scf.for %while3A_290 = %while3A_137 to %while3A_133 step %while3A_139  : i32 {
      %mul3A_291 = arith.constant 64 : i32
      %mul3A_292 = arith.muli %while3A_290, %mul3A_291 : i32
      %add3A_293 = arith.addi %mul3A_100, %mul3A_292 : i32
      %min3A = arith.constant 1984 : i32
      %min3A_294 = arith.minsi %add3A_293, %min3A : i32
      %multiple_of3A = tpu.assume_multiple %min3A_294, 8 : i32
      %get3A_295 = arith.index_cast %multiple_of3A : i32 to index
      %get3A_296 = arith.constant 0 : index
      %get3A_297 = vector.load %arg2[%get3A_295, %get3A_296] : memref<2048x1024xf32, #tpu.memory_space<vmem>>, vector<64x1024xf32>
      %get3A_298 = arith.constant 1 : index
      %get3A_299 = arith.constant 0 : index
      %get3A_300 = arith.constant 0 : index
      %get3A_301 = vector.load %arg3[%get3A_298, %get3A_299, %get3A_300] : memref<4x512x1024xf32, #tpu.memory_space<vmem>>, vector<1x512x1024xf32>
      %get3A_302 = vector.shape_cast %get3A_301 : vector<1x512x1024xf32> to vector<512x1024xf32>
      %dot_general3A = arith.constant dense<0.000000e+00> : vector<64x512xf32>
      %dot_general3A_303 = tpu.matmul %get3A_297, %get3A_302, %dot_general3A {dimension_numbers = #tpu.dot_dimension_numbers<[1], [1], [0], [0], [0, 0, 1, 0], [], []>, transpose_lhs_hint = false} : vector<64x1024xf32>, vector<512x1024xf32>, vector<64x512xf32> -> vector<64x512xf32>
      %get3A_304 = arith.constant 1 : index
      %get3A_305 = arith.constant 0 : index
      %get3A_306 = arith.constant 0 : index
      %get3A_307 = vector.load %arg4[%get3A_304, %get3A_305, %get3A_306] : memref<4x1x512xf32, #tpu.memory_space<vmem>>, vector<1x1x512xf32>
      %get3A_308 = vector.shape_cast %get3A_307 : vector<1x1x512xf32> to vector<1x512xf32>
      %add3A_309 = vector.broadcast %get3A_308 : vector<1x512xf32> to vector<64x512xf32>
      %add3A_310 = arith.addf %dot_general3A_303, %add3A_309 : vector<64x512xf32>
      %mul3A_311 = arith.constant 5.000000e-01 : f32
      %mul3A_312 = vector.broadcast %mul3A_311 : f32 to vector<64x512xf32>
      %mul3A_313 = arith.mulf %mul3A_312, %add3A_310 : vector<64x512xf32>
      %mul3A_314 = arith.constant 0.707106769 : f32
      %mul3A_315 = vector.broadcast %mul3A_314 : f32 to vector<64x512xf32>
      %mul3A_316 = arith.mulf %add3A_310, %mul3A_315 : vector<64x512xf32>
      %erf3A = math.erf %mul3A_316 : vector<64x512xf32>
      %add3A_317 = arith.constant 1.000000e+00 : f32
      %add3A_318 = vector.broadcast %add3A_317 : f32 to vector<64x512xf32>
      %add3A_319 = arith.addf %add3A_318, %erf3A : vector<64x512xf32>
      %mul3A_320 = arith.mulf %mul3A_313, %add3A_319 : vector<64x512xf32>
      %get3A_321 = arith.constant 1 : index
      %get3A_322 = arith.constant 0 : index
      %get3A_323 = arith.constant 0 : index
      %get3A_324 = vector.load %arg5[%get3A_321, %get3A_322, %get3A_323] : memref<4x1024x512xf32, #tpu.memory_space<vmem>>, vector<1x1024x512xf32>
      %get3A_325 = vector.shape_cast %get3A_324 : vector<1x1024x512xf32> to vector<1024x512xf32>
      %dot_general3A_326 = arith.constant dense<0.000000e+00> : vector<64x1024xf32>
      %dot_general3A_327 = tpu.matmul %mul3A_320, %get3A_325, %dot_general3A_326 {dimension_numbers = #tpu.dot_dimension_numbers<[1], [1], [0], [0], [0, 0, 1, 0], [], []>, transpose_lhs_hint = false} : vector<64x512xf32>, vector<1024x512xf32>, vector<64x1024xf32> -> vector<64x1024xf32>
      %get3A_328 = arith.constant 1 : index
      %get3A_329 = arith.constant 0 : index
      %get3A_330 = arith.constant 0 : index
      %get3A_331 = vector.load %arg6[%get3A_328, %get3A_329, %get3A_330] : memref<4x1x1024xf32, #tpu.memory_space<vmem>>, vector<1x1x1024xf32>
      %get3A_332 = vector.shape_cast %get3A_331 : vector<1x1x1024xf32> to vector<1x1024xf32>
      %add3A_333 = vector.broadcast %get3A_332 : vector<1x1024xf32> to vector<64x1024xf32>
      %add3A_334 = arith.addf %dot_general3A_327, %add3A_333 : vector<64x1024xf32>
      %get3A_335 = arith.constant 0 : index
      %get3A_336 = arith.constant 0 : index
      %get3A_337 = vector.load %arg7[%get3A_335, %get3A_336] : memref<512x1024xf32, #tpu.memory_space<vmem>>, vector<512x1024xf32>
      %dot_general3A_338 = arith.constant dense<0.000000e+00> : vector<64x512xf32>
      %dot_general3A_339 = tpu.matmul %get3A_297, %get3A_337, %dot_general3A_338 {dimension_numbers = #tpu.dot_dimension_numbers<[1], [1], [0], [0], [0, 0, 1, 0], [], []>, transpose_lhs_hint = false} : vector<64x1024xf32>, vector<512x1024xf32>, vector<64x512xf32> -> vector<64x512xf32>
      %get3A_340 = arith.constant 0 : index
      %get3A_341 = arith.constant 0 : index
      %get3A_342 = vector.load %arg8[%get3A_340, %get3A_341] : memref<1x512xf32, #tpu.memory_space<vmem>>, vector<1x512xf32>
      %add3A_343 = vector.broadcast %get3A_342 : vector<1x512xf32> to vector<64x512xf32>
      %add3A_344 = arith.addf %dot_general3A_339, %add3A_343 : vector<64x512xf32>
      %mul3A_345 = arith.constant 5.000000e-01 : f32
      %mul3A_346 = vector.broadcast %mul3A_345 : f32 to vector<64x512xf32>
      %mul3A_347 = arith.mulf %mul3A_346, %add3A_344 : vector<64x512xf32>
      %mul3A_348 = arith.constant 0.707106769 : f32
      %mul3A_349 = vector.broadcast %mul3A_348 : f32 to vector<64x512xf32>
      %mul3A_350 = arith.mulf %add3A_344, %mul3A_349 : vector<64x512xf32>
      %erf3A_351 = math.erf %mul3A_350 : vector<64x512xf32>
      %add3A_352 = arith.constant 1.000000e+00 : f32
      %add3A_353 = vector.broadcast %add3A_352 : f32 to vector<64x512xf32>
      %add3A_354 = arith.addf %add3A_353, %erf3A_351 : vector<64x512xf32>
      %mul3A_355 = arith.mulf %mul3A_347, %add3A_354 : vector<64x512xf32>
      %get3A_356 = arith.constant 0 : index
      %get3A_357 = arith.constant 0 : index
      %get3A_358 = vector.load %arg9[%get3A_356, %get3A_357] : memref<1024x512xf32, #tpu.memory_space<vmem>>, vector<1024x512xf32>
      %dot_general3A_359 = arith.constant dense<0.000000e+00> : vector<64x1024xf32>
      %dot_general3A_360 = tpu.matmul %mul3A_355, %get3A_358, %dot_general3A_359 {dimension_numbers = #tpu.dot_dimension_numbers<[1], [1], [0], [0], [0, 0, 1, 0], [], []>, transpose_lhs_hint = false} : vector<64x512xf32>, vector<1024x512xf32>, vector<64x1024xf32> -> vector<64x1024xf32>
      %add3A_361 = arith.addf %add3A_334, %dot_general3A_360 : vector<64x1024xf32>
      %get3A_362 = arith.constant 0 : index
      %get3A_363 = arith.constant 0 : index
      %get3A_364 = vector.load %arg10[%get3A_362, %get3A_363] : memref<1x1024xf32, #tpu.memory_space<vmem>>, vector<1x1024xf32>
      %add3A_365 = vector.broadcast %get3A_364 : vector<1x1024xf32> to vector<64x1024xf32>
      %add3A_366 = arith.addf %add3A_361, %add3A_365 : vector<64x1024xf32>
      %iota3A = tpu.iota {dimensions = array<i32: 0>} : vector<64x1xi32>
      %add3A_367 = vector.broadcast %multiple_of3A : i32 to vector<64x1xi32>
      %add3A_368 = arith.addi %add3A_367, %iota3A : vector<64x1xi32>
      %ge3A = vector.broadcast %get3A_68 : i32 to vector<64x1xi32>
      %ge3A_369 = arith.cmpi sge, %add3A_368, %ge3A : vector<64x1xi32>
      %lt3A = vector.broadcast %get3A_74 : i32 to vector<64x1xi32>
      %lt3A_370 = arith.cmpi slt, %add3A_368, %lt3A : vector<64x1xi32>
      %and3A_371 = arith.andi %ge3A_369, %lt3A_370 : vector<64x1xi1>
      %get3A_372 = arith.index_cast %multiple_of3A : i32 to index
      %get3A_373 = arith.constant 0 : index
      %get3A_374 = vector.load %arg11[%get3A_372, %get3A_373] : memref<2048x1024xf32, #tpu.memory_space<vmem>>, vector<64x1024xf32>
      %broadcast_in_dim3A = vector.shape_cast %and3A_371 : vector<64x1xi1> to vector<64x1xi1>
      %broadcast_in_dim3A_375 = vector.broadcast %broadcast_in_dim3A : vector<64x1xi1> to vector<64x1024xi1>
      %select_n3A_376 = arith.select %broadcast_in_dim3A_375, %add3A_366, %get3A_374 : vector<64x1024xi1>, vector<64x1024xf32>
      %swap3A = arith.index_cast %multiple_of3A : i32 to index
      %swap3A_377 = arith.constant 0 : index
      %swap3A_378 = vector.load %arg11[%swap3A, %swap3A_377] : memref<2048x1024xf32, #tpu.memory_space<vmem>>, vector<64x1024xf32>
      tpu.vector_store %arg11[%swap3A, %swap3A_377], %select_n3A_376 {strides = array<i32>} : memref<2048x1024xf32, #tpu.memory_space<vmem>>, vector<64x1024xf32>,
    }
    %add3A_140 = arith.constant 2 : i32
    %add3A_141 = arith.addi %mul3A_0, %add3A_140 : i32
    %get3A_142 = arith.index_cast %add3A_141 : i32 to index
    %get3A_143 = memref.load %arg1[%get3A_142] : memref<65xi32, #tpu.memory_space<smem>>
    %add3A_144 = arith.constant 2 : i32
    %add3A_145 = arith.addi %mul3A_0, %add3A_144 : i32
    %add3A_146 = arith.constant 1 : i32
    %add3A_147 = arith.addi %add3A_145, %add3A_146 : i32
    %get3A_148 = arith.index_cast %add3A_147 : i32 to index
    %get3A_149 = memref.load %arg1[%get3A_148] : memref<65xi32, #tpu.memory_space<smem>>
    %jit3A_150 = arith.constant 8 : i32
    %div3A_151 = arith.divsi %get3A_143, %jit3A_150 : i32
    %sign3A_152 = arith.constant 0 : i32
    %sign3A_153 = arith.cmpi sgt, %get3A_143, %sign3A_152 : i32
    %sign3A_154 = arith.extui %sign3A_153 : i1 to i32
    %sign3A_155 = arith.constant 0 : i32
    %sign3A_156 = arith.cmpi slt, %get3A_143, %sign3A_155 : i32
    %sign3A_157 = arith.extui %sign3A_156 : i1 to i32
    %sign3A_158 = arith.subi %sign3A_154, %sign3A_157 : i32
    %sign3A_159 = arith.constant 0 : i32
    %sign3A_160 = arith.cmpi sgt, %jit3A_150, %sign3A_159 : i32
    %sign3A_161 = arith.extui %sign3A_160 : i1 to i32
    %sign3A_162 = arith.constant 0 : i32
    %sign3A_163 = arith.cmpi slt, %jit3A_150, %sign3A_162 : i32
    %sign3A_164 = arith.extui %sign3A_163 : i1 to i32
    %sign3A_165 = arith.subi %sign3A_161, %sign3A_164 : i32
    %ne3A_166 = arith.cmpi ne, %sign3A_158, %sign3A_165 : i32
    %rem3A_167 = arith.remsi %get3A_143, %jit3A_150 : i32
    %ne3A_168 = arith.constant 0 : i32
    %ne3A_169 = arith.cmpi ne, %rem3A_167, %ne3A_168 : i32
    %and3A_170 = arith.andi %ne3A_166, %ne3A_169 : i1
    %sub3A_171 = arith.constant 1 : i32
    %sub3A_172 = arith.subi %div3A_151, %sub3A_171 : i32
    %select_n3A_173 = arith.select %and3A_170, %sub3A_172, %div3A_151 : i32
    %mul3A_174 = arith.constant 8 : i32
    %mul3A_175 = arith.muli %select_n3A_173, %mul3A_174 : i32
    %sub3A_176 = arith.subi %get3A_149, %mul3A_175 : i32
    %add3A_177 = arith.constant 64 : i32
    %add3A_178 = arith.addi %sub3A_176, %add3A_177 : i32
    %sub3A_179 = arith.constant 1 : i32
    %sub3A_180 = arith.subi %add3A_178, %sub3A_179 : i32
    %jit3A_181 = arith.constant 64 : i32
    %div3A_182 = arith.divsi %sub3A_180, %jit3A_181 : i32
    %sign3A_183 = arith.constant 0 : i32
    %sign3A_184 = arith.cmpi sgt, %sub3A_180, %sign3A_183 : i32
    %sign3A_185 = arith.extui %sign3A_184 : i1 to i32
    %sign3A_186 = arith.constant 0 : i32
    %sign3A_187 = arith.cmpi slt, %sub3A_180, %sign3A_186 : i32
    %sign3A_188 = arith.extui %sign3A_187 : i1 to i32
    %sign3A_189 = arith.subi %sign3A_185, %sign3A_188 : i32
    %sign3A_190 = arith.constant 0 : i32
    %sign3A_191 = arith.cmpi sgt, %jit3A_181, %sign3A_190 : i32
    %sign3A_192 = arith.extui %sign3A_191 : i1 to i32
    %sign3A_193 = arith.constant 0 : i32
    %sign3A_194 = arith.cmpi slt, %jit3A_181, %sign3A_193 : i32
    %sign3A_195 = arith.extui %sign3A_194 : i1 to i32
    %sign3A_196 = arith.subi %sign3A_192, %sign3A_195 : i32
    %ne3A_197 = arith.cmpi ne, %sign3A_189, %sign3A_196 : i32
    %rem3A_198 = arith.remsi %sub3A_180, %jit3A_181 : i32
    %ne3A_199 = arith.constant 0 : i32
    %ne3A_200 = arith.cmpi ne, %rem3A_198, %ne3A_199 : i32
    %and3A_201 = arith.andi %ne3A_197, %ne3A_200 : i1
    %sub3A_202 = arith.constant 1 : i32
    %sub3A_203 = arith.subi %div3A_182, %sub3A_202 : i32
    %select_n3A_204 = arith.select %and3A_201, %sub3A_203, %div3A_182 : i32
    %while3A_205 = arith.constant 0 : i32
    %while3A_206 = arith.constant 0 : i32
    %while3A_207 = arith.subi %select_n3A_204, %while3A_206 : i32
    %while3A_208 = arith.addi %while3A_206, %while3A_207 : i32
    %while3A_209 = arith.constant 1 : i32
    %while3A_210 = arith.divsi %while3A_207, %while3A_209 : i32
    %while3A_211 = arith.muli %while3A_210, %while3A_209 : i32
    %while3A_212 = arith.addi %while3A_206, %while3A_211 : i32
    %while3A_213 = arith.constant 1 : i32
    scf.for %while3A_290 = %while3A_206 to %while3A_212 step %while3A_213  : i32 {
      %mul3A_291 = arith.constant 64 : i32
      %mul3A_292 = arith.muli %while3A_290, %mul3A_291 : i32
      %add3A_293 = arith.addi %mul3A_175, %mul3A_292 : i32
      %min3A = arith.constant 1984 : i32
      %min3A_294 = arith.minsi %add3A_293, %min3A : i32
      %multiple_of3A = tpu.assume_multiple %min3A_294, 8 : i32
      %get3A_295 = arith.index_cast %multiple_of3A : i32 to index
      %get3A_296 = arith.constant 0 : index
      %get3A_297 = vector.load %arg2[%get3A_295, %get3A_296] : memref<2048x1024xf32, #tpu.memory_space<vmem>>, vector<64x1024xf32>
      %get3A_298 = arith.constant 2 : index
      %get3A_299 = arith.constant 0 : index
      %get3A_300 = arith.constant 0 : index
      %get3A_301 = vector.load %arg3[%get3A_298, %get3A_299, %get3A_300] : memref<4x512x1024xf32, #tpu.memory_space<vmem>>, vector<1x512x1024xf32>
      %get3A_302 = vector.shape_cast %get3A_301 : vector<1x512x1024xf32> to vector<512x1024xf32>
      %dot_general3A = arith.constant dense<0.000000e+00> : vector<64x512xf32>
      %dot_general3A_303 = tpu.matmul %get3A_297, %get3A_302, %dot_general3A {dimension_numbers = #tpu.dot_dimension_numbers<[1], [1], [0], [0], [0, 0, 1, 0], [], []>, transpose_lhs_hint = false} : vector<64x1024xf32>, vector<512x1024xf32>, vector<64x512xf32> -> vector<64x512xf32>
      %get3A_304 = arith.constant 2 : index
      %get3A_305 = arith.constant 0 : index
      %get3A_306 = arith.constant 0 : index
      %get3A_307 = vector.load %arg4[%get3A_304, %get3A_305, %get3A_306] : memref<4x1x512xf32, #tpu.memory_space<vmem>>, vector<1x1x512xf32>
      %get3A_308 = vector.shape_cast %get3A_307 : vector<1x1x512xf32> to vector<1x512xf32>
      %add3A_309 = vector.broadcast %get3A_308 : vector<1x512xf32> to vector<64x512xf32>
      %add3A_310 = arith.addf %dot_general3A_303, %add3A_309 : vector<64x512xf32>
      %mul3A_311 = arith.constant 5.000000e-01 : f32
      %mul3A_312 = vector.broadcast %mul3A_311 : f32 to vector<64x512xf32>
      %mul3A_313 = arith.mulf %mul3A_312, %add3A_310 : vector<64x512xf32>
      %mul3A_314 = arith.constant 0.707106769 : f32
      %mul3A_315 = vector.broadcast %mul3A_314 : f32 to vector<64x512xf32>
      %mul3A_316 = arith.mulf %add3A_310, %mul3A_315 : vector<64x512xf32>
      %erf3A = math.erf %mul3A_316 : vector<64x512xf32>
      %add3A_317 = arith.constant 1.000000e+00 : f32
      %add3A_318 = vector.broadcast %add3A_317 : f32 to vector<64x512xf32>
      %add3A_319 = arith.addf %add3A_318, %erf3A : vector<64x512xf32>
      %mul3A_320 = arith.mulf %mul3A_313, %add3A_319 : vector<64x512xf32>
      %get3A_321 = arith.constant 2 : index
      %get3A_322 = arith.constant 0 : index
      %get3A_323 = arith.constant 0 : index
      %get3A_324 = vector.load %arg5[%get3A_321, %get3A_322, %get3A_323] : memref<4x1024x512xf32, #tpu.memory_space<vmem>>, vector<1x1024x512xf32>
      %get3A_325 = vector.shape_cast %get3A_324 : vector<1x1024x512xf32> to vector<1024x512xf32>
      %dot_general3A_326 = arith.constant dense<0.000000e+00> : vector<64x1024xf32>
      %dot_general3A_327 = tpu.matmul %mul3A_320, %get3A_325, %dot_general3A_326 {dimension_numbers = #tpu.dot_dimension_numbers<[1], [1], [0], [0], [0, 0, 1, 0], [], []>, transpose_lhs_hint = false} : vector<64x512xf32>, vector<1024x512xf32>, vector<64x1024xf32> -> vector<64x1024xf32>
      %get3A_328 = arith.constant 2 : index
      %get3A_329 = arith.constant 0 : index
      %get3A_330 = arith.constant 0 : index
      %get3A_331 = vector.load %arg6[%get3A_328, %get3A_329, %get3A_330] : memref<4x1x1024xf32, #tpu.memory_space<vmem>>, vector<1x1x1024xf32>
      %get3A_332 = vector.shape_cast %get3A_331 : vector<1x1x1024xf32> to vector<1x1024xf32>
      %add3A_333 = vector.broadcast %get3A_332 : vector<1x1024xf32> to vector<64x1024xf32>
      %add3A_334 = arith.addf %dot_general3A_327, %add3A_333 : vector<64x1024xf32>
      %get3A_335 = arith.constant 0 : index
      %get3A_336 = arith.constant 0 : index
      %get3A_337 = vector.load %arg7[%get3A_335, %get3A_336] : memref<512x1024xf32, #tpu.memory_space<vmem>>, vector<512x1024xf32>
      %dot_general3A_338 = arith.constant dense<0.000000e+00> : vector<64x512xf32>
      %dot_general3A_339 = tpu.matmul %get3A_297, %get3A_337, %dot_general3A_338 {dimension_numbers = #tpu.dot_dimension_numbers<[1], [1], [0], [0], [0, 0, 1, 0], [], []>, transpose_lhs_hint = false} : vector<64x1024xf32>, vector<512x1024xf32>, vector<64x512xf32> -> vector<64x512xf32>
      %get3A_340 = arith.constant 0 : index
      %get3A_341 = arith.constant 0 : index
      %get3A_342 = vector.load %arg8[%get3A_340, %get3A_341] : memref<1x512xf32, #tpu.memory_space<vmem>>, vector<1x512xf32>
      %add3A_343 = vector.broadcast %get3A_342 : vector<1x512xf32> to vector<64x512xf32>
      %add3A_344 = arith.addf %dot_general3A_339, %add3A_343 : vector<64x512xf32>
      %mul3A_345 = arith.constant 5.000000e-01 : f32
      %mul3A_346 = vector.broadcast %mul3A_345 : f32 to vector<64x512xf32>
      %mul3A_347 = arith.mulf %mul3A_346, %add3A_344 : vector<64x512xf32>
      %mul3A_348 = arith.constant 0.707106769 : f32
      %mul3A_349 = vector.broadcast %mul3A_348 : f32 to vector<64x512xf32>
      %mul3A_350 = arith.mulf %add3A_344, %mul3A_349 : vector<64x512xf32>
      %erf3A_351 = math.erf %mul3A_350 : vector<64x512xf32>
      %add3A_352 = arith.constant 1.000000e+00 : f32
      %add3A_353 = vector.broadcast %add3A_352 : f32 to vector<64x512xf32>
      %add3A_354 = arith.addf %add3A_353, %erf3A_351 : vector<64x512xf32>
      %mul3A_355 = arith.mulf %mul3A_347, %add3A_354 : vector<64x512xf32>
      %get3A_356 = arith.constant 0 : index
      %get3A_357 = arith.constant 0 : index
      %get3A_358 = vector.load %arg9[%get3A_356, %get3A_357] : memref<1024x512xf32, #tpu.memory_space<vmem>>, vector<1024x512xf32>
      %dot_general3A_359 = arith.constant dense<0.000000e+00> : vector<64x1024xf32>
      %dot_general3A_360 = tpu.matmul %mul3A_355, %get3A_358, %dot_general3A_359 {dimension_numbers = #tpu.dot_dimension_numbers<[1], [1], [0], [0], [0, 0, 1, 0], [], []>, transpose_lhs_hint = false} : vector<64x512xf32>, vector<1024x512xf32>, vector<64x1024xf32> -> vector<64x1024xf32>
      %add3A_361 = arith.addf %add3A_334, %dot_general3A_360 : vector<64x1024xf32>
      %get3A_362 = arith.constant 0 : index
      %get3A_363 = arith.constant 0 : index
      %get3A_364 = vector.load %arg10[%get3A_362, %get3A_363] : memref<1x1024xf32, #tpu.memory_space<vmem>>, vector<1x1024xf32>
      %add3A_365 = vector.broadcast %get3A_364 : vector<1x1024xf32> to vector<64x1024xf32>
      %add3A_366 = arith.addf %add3A_361, %add3A_365 : vector<64x1024xf32>
      %iota3A = tpu.iota {dimensions = array<i32: 0>} : vector<64x1xi32>
      %add3A_367 = vector.broadcast %multiple_of3A : i32 to vector<64x1xi32>
      %add3A_368 = arith.addi %add3A_367, %iota3A : vector<64x1xi32>
      %ge3A = vector.broadcast %get3A_143 : i32 to vector<64x1xi32>
      %ge3A_369 = arith.cmpi sge, %add3A_368, %ge3A : vector<64x1xi32>
      %lt3A = vector.broadcast %get3A_149 : i32 to vector<64x1xi32>
      %lt3A_370 = arith.cmpi slt, %add3A_368, %lt3A : vector<64x1xi32>
      %and3A_371 = arith.andi %ge3A_369, %lt3A_370 : vector<64x1xi1>
      %get3A_372 = arith.index_cast %multiple_of3A : i32 to index
      %get3A_373 = arith.constant 0 : index
      %get3A_374 = vector.load %arg11[%get3A_372, %get3A_373] : memref<2048x1024xf32, #tpu.memory_space<vmem>>, vector<64x1024xf32>
      %broadcast_in_dim3A = vector.shape_cast %and3A_371 : vector<64x1xi1> to vector<64x1xi1>
      %broadcast_in_dim3A_375 = vector.broadcast %broadcast_in_dim3A : vector<64x1xi1> to vector<64x1024xi1>
      %select_n3A_376 = arith.select %broadcast_in_dim3A_375, %add3A_366, %get3A_374 : vector<64x1024xi1>, vector<64x1024xf32>
      %swap3A = arith.index_cast %multiple_of3A : i32 to index
      %swap3A_377 = arith.constant 0 : index
      %swap3A_378 = vector.load %arg11[%swap3A, %swap3A_377] : memref<2048x1024xf32, #tpu.memory_space<vmem>>, vector<64x1024xf32>
      tpu.vector_store %arg11[%swap3A, %swap3A_377], %select_n3A_376 {strides = array<i32>} : memref<2048x1024xf32, #tpu.memory_space<vmem>>, vector<64x1024xf32>,
    }
    %while3A_214 = arith.constant 1 : i32
    scf.for %while3A_290 = %while3A_212 to %while3A_208 step %while3A_214  : i32 {
      %mul3A_291 = arith.constant 64 : i32
      %mul3A_292 = arith.muli %while3A_290, %mul3A_291 : i32
      %add3A_293 = arith.addi %mul3A_175, %mul3A_292 : i32
      %min3A = arith.constant 1984 : i32
      %min3A_294 = arith.minsi %add3A_293, %min3A : i32
      %multiple_of3A = tpu.assume_multiple %min3A_294, 8 : i32
      %get3A_295 = arith.index_cast %multiple_of3A : i32 to index
      %get3A_296 = arith.constant 0 : index
      %get3A_297 = vector.load %arg2[%get3A_295, %get3A_296] : memref<2048x1024xf32, #tpu.memory_space<vmem>>, vector<64x1024xf32>
      %get3A_298 = arith.constant 2 : index
      %get3A_299 = arith.constant 0 : index
      %get3A_300 = arith.constant 0 : index
      %get3A_301 = vector.load %arg3[%get3A_298, %get3A_299, %get3A_300] : memref<4x512x1024xf32, #tpu.memory_space<vmem>>, vector<1x512x1024xf32>
      %get3A_302 = vector.shape_cast %get3A_301 : vector<1x512x1024xf32> to vector<512x1024xf32>
      %dot_general3A = arith.constant dense<0.000000e+00> : vector<64x512xf32>
      %dot_general3A_303 = tpu.matmul %get3A_297, %get3A_302, %dot_general3A {dimension_numbers = #tpu.dot_dimension_numbers<[1], [1], [0], [0], [0, 0, 1, 0], [], []>, transpose_lhs_hint = false} : vector<64x1024xf32>, vector<512x1024xf32>, vector<64x512xf32> -> vector<64x512xf32>
      %get3A_304 = arith.constant 2 : index
      %get3A_305 = arith.constant 0 : index
      %get3A_306 = arith.constant 0 : index
      %get3A_307 = vector.load %arg4[%get3A_304, %get3A_305, %get3A_306] : memref<4x1x512xf32, #tpu.memory_space<vmem>>, vector<1x1x512xf32>
      %get3A_308 = vector.shape_cast %get3A_307 : vector<1x1x512xf32> to vector<1x512xf32>
      %add3A_309 = vector.broadcast %get3A_308 : vector<1x512xf32> to vector<64x512xf32>
      %add3A_310 = arith.addf %dot_general3A_303, %add3A_309 : vector<64x512xf32>
      %mul3A_311 = arith.constant 5.000000e-01 : f32
      %mul3A_312 = vector.broadcast %mul3A_311 : f32 to vector<64x512xf32>
      %mul3A_313 = arith.mulf %mul3A_312, %add3A_310 : vector<64x512xf32>
      %mul3A_314 = arith.constant 0.707106769 : f32
      %mul3A_315 = vector.broadcast %mul3A_314 : f32 to vector<64x512xf32>
      %mul3A_316 = arith.mulf %add3A_310, %mul3A_315 : vector<64x512xf32>
      %erf3A = math.erf %mul3A_316 : vector<64x512xf32>
      %add3A_317 = arith.constant 1.000000e+00 : f32
      %add3A_318 = vector.broadcast %add3A_317 : f32 to vector<64x512xf32>
      %add3A_319 = arith.addf %add3A_318, %erf3A : vector<64x512xf32>
      %mul3A_320 = arith.mulf %mul3A_313, %add3A_319 : vector<64x512xf32>
      %get3A_321 = arith.constant 2 : index
      %get3A_322 = arith.constant 0 : index
      %get3A_323 = arith.constant 0 : index
      %get3A_324 = vector.load %arg5[%get3A_321, %get3A_322, %get3A_323] : memref<4x1024x512xf32, #tpu.memory_space<vmem>>, vector<1x1024x512xf32>
      %get3A_325 = vector.shape_cast %get3A_324 : vector<1x1024x512xf32> to vector<1024x512xf32>
      %dot_general3A_326 = arith.constant dense<0.000000e+00> : vector<64x1024xf32>
      %dot_general3A_327 = tpu.matmul %mul3A_320, %get3A_325, %dot_general3A_326 {dimension_numbers = #tpu.dot_dimension_numbers<[1], [1], [0], [0], [0, 0, 1, 0], [], []>, transpose_lhs_hint = false} : vector<64x512xf32>, vector<1024x512xf32>, vector<64x1024xf32> -> vector<64x1024xf32>
      %get3A_328 = arith.constant 2 : index
      %get3A_329 = arith.constant 0 : index
      %get3A_330 = arith.constant 0 : index
      %get3A_331 = vector.load %arg6[%get3A_328, %get3A_329, %get3A_330] : memref<4x1x1024xf32, #tpu.memory_space<vmem>>, vector<1x1x1024xf32>
      %get3A_332 = vector.shape_cast %get3A_331 : vector<1x1x1024xf32> to vector<1x1024xf32>
      %add3A_333 = vector.broadcast %get3A_332 : vector<1x1024xf32> to vector<64x1024xf32>
      %add3A_334 = arith.addf %dot_general3A_327, %add3A_333 : vector<64x1024xf32>
      %get3A_335 = arith.constant 0 : index
      %get3A_336 = arith.constant 0 : index
      %get3A_337 = vector.load %arg7[%get3A_335, %get3A_336] : memref<512x1024xf32, #tpu.memory_space<vmem>>, vector<512x1024xf32>
      %dot_general3A_338 = arith.constant dense<0.000000e+00> : vector<64x512xf32>
      %dot_general3A_339 = tpu.matmul %get3A_297, %get3A_337, %dot_general3A_338 {dimension_numbers = #tpu.dot_dimension_numbers<[1], [1], [0], [0], [0, 0, 1, 0], [], []>, transpose_lhs_hint = false} : vector<64x1024xf32>, vector<512x1024xf32>, vector<64x512xf32> -> vector<64x512xf32>
      %get3A_340 = arith.constant 0 : index
      %get3A_341 = arith.constant 0 : index
      %get3A_342 = vector.load %arg8[%get3A_340, %get3A_341] : memref<1x512xf32, #tpu.memory_space<vmem>>, vector<1x512xf32>
      %add3A_343 = vector.broadcast %get3A_342 : vector<1x512xf32> to vector<64x512xf32>
      %add3A_344 = arith.addf %dot_general3A_339, %add3A_343 : vector<64x512xf32>
      %mul3A_345 = arith.constant 5.000000e-01 : f32
      %mul3A_346 = vector.broadcast %mul3A_345 : f32 to vector<64x512xf32>
      %mul3A_347 = arith.mulf %mul3A_346, %add3A_344 : vector<64x512xf32>
      %mul3A_348 = arith.constant 0.707106769 : f32
      %mul3A_349 = vector.broadcast %mul3A_348 : f32 to vector<64x512xf32>
      %mul3A_350 = arith.mulf %add3A_344, %mul3A_349 : vector<64x512xf32>
      %erf3A_351 = math.erf %mul3A_350 : vector<64x512xf32>
      %add3A_352 = arith.constant 1.000000e+00 : f32
      %add3A_353 = vector.broadcast %add3A_352 : f32 to vector<64x512xf32>
      %add3A_354 = arith.addf %add3A_353, %erf3A_351 : vector<64x512xf32>
      %mul3A_355 = arith.mulf %mul3A_347, %add3A_354 : vector<64x512xf32>
      %get3A_356 = arith.constant 0 : index
      %get3A_357 = arith.constant 0 : index
      %get3A_358 = vector.load %arg9[%get3A_356, %get3A_357] : memref<1024x512xf32, #tpu.memory_space<vmem>>, vector<1024x512xf32>
      %dot_general3A_359 = arith.constant dense<0.000000e+00> : vector<64x1024xf32>
      %dot_general3A_360 = tpu.matmul %mul3A_355, %get3A_358, %dot_general3A_359 {dimension_numbers = #tpu.dot_dimension_numbers<[1], [1], [0], [0], [0, 0, 1, 0], [], []>, transpose_lhs_hint = false} : vector<64x512xf32>, vector<1024x512xf32>, vector<64x1024xf32> -> vector<64x1024xf32>
      %add3A_361 = arith.addf %add3A_334, %dot_general3A_360 : vector<64x1024xf32>
      %get3A_362 = arith.constant 0 : index
      %get3A_363 = arith.constant 0 : index
      %get3A_364 = vector.load %arg10[%get3A_362, %get3A_363] : memref<1x1024xf32, #tpu.memory_space<vmem>>, vector<1x1024xf32>
      %add3A_365 = vector.broadcast %get3A_364 : vector<1x1024xf32> to vector<64x1024xf32>
      %add3A_366 = arith.addf %add3A_361, %add3A_365 : vector<64x1024xf32>
      %iota3A = tpu.iota {dimensions = array<i32: 0>} : vector<64x1xi32>
      %add3A_367 = vector.broadcast %multiple_of3A : i32 to vector<64x1xi32>
      %add3A_368 = arith.addi %add3A_367, %iota3A : vector<64x1xi32>
      %ge3A = vector.broadcast %get3A_143 : i32 to vector<64x1xi32>
      %ge3A_369 = arith.cmpi sge, %add3A_368, %ge3A : vector<64x1xi32>
      %lt3A = vector.broadcast %get3A_149 : i32 to vector<64x1xi32>
      %lt3A_370 = arith.cmpi slt, %add3A_368, %lt3A : vector<64x1xi32>
      %and3A_371 = arith.andi %ge3A_369, %lt3A_370 : vector<64x1xi1>
      %get3A_372 = arith.index_cast %multiple_of3A : i32 to index
      %get3A_373 = arith.constant 0 : index
      %get3A_374 = vector.load %arg11[%get3A_372, %get3A_373] : memref<2048x1024xf32, #tpu.memory_space<vmem>>, vector<64x1024xf32>
      %broadcast_in_dim3A = vector.shape_cast %and3A_371 : vector<64x1xi1> to vector<64x1xi1>
      %broadcast_in_dim3A_375 = vector.broadcast %broadcast_in_dim3A : vector<64x1xi1> to vector<64x1024xi1>
      %select_n3A_376 = arith.select %broadcast_in_dim3A_375, %add3A_366, %get3A_374 : vector<64x1024xi1>, vector<64x1024xf32>
      %swap3A = arith.index_cast %multiple_of3A : i32 to index
      %swap3A_377 = arith.constant 0 : index
      %swap3A_378 = vector.load %arg11[%swap3A, %swap3A_377] : memref<2048x1024xf32, #tpu.memory_space<vmem>>, vector<64x1024xf32>
      tpu.vector_store %arg11[%swap3A, %swap3A_377], %select_n3A_376 {strides = array<i32>} : memref<2048x1024xf32, #tpu.memory_space<vmem>>, vector<64x1024xf32>,
    }
    %add3A_215 = arith.constant 3 : i32
    %add3A_216 = arith.addi %mul3A_0, %add3A_215 : i32
    %get3A_217 = arith.index_cast %add3A_216 : i32 to index
    %get3A_218 = memref.load %arg1[%get3A_217] : memref<65xi32, #tpu.memory_space<smem>>
    %add3A_219 = arith.constant 3 : i32
    %add3A_220 = arith.addi %mul3A_0, %add3A_219 : i32
    %add3A_221 = arith.constant 1 : i32
    %add3A_222 = arith.addi %add3A_220, %add3A_221 : i32
    %get3A_223 = arith.index_cast %add3A_222 : i32 to index
    %get3A_224 = memref.load %arg1[%get3A_223] : memref<65xi32, #tpu.memory_space<smem>>
    %jit3A_225 = arith.constant 8 : i32
    %div3A_226 = arith.divsi %get3A_218, %jit3A_225 : i32
    %sign3A_227 = arith.constant 0 : i32
    %sign3A_228 = arith.cmpi sgt, %get3A_218, %sign3A_227 : i32
    %sign3A_229 = arith.extui %sign3A_228 : i1 to i32
    %sign3A_230 = arith.constant 0 : i32
    %sign3A_231 = arith.cmpi slt, %get3A_218, %sign3A_230 : i32
    %sign3A_232 = arith.extui %sign3A_231 : i1 to i32
    %sign3A_233 = arith.subi %sign3A_229, %sign3A_232 : i32
    %sign3A_234 = arith.constant 0 : i32
    %sign3A_235 = arith.cmpi sgt, %jit3A_225, %sign3A_234 : i32
    %sign3A_236 = arith.extui %sign3A_235 : i1 to i32
    %sign3A_237 = arith.constant 0 : i32
    %sign3A_238 = arith.cmpi slt, %jit3A_225, %sign3A_237 : i32
    %sign3A_239 = arith.extui %sign3A_238 : i1 to i32
    %sign3A_240 = arith.subi %sign3A_236, %sign3A_239 : i32
    %ne3A_241 = arith.cmpi ne, %sign3A_233, %sign3A_240 : i32
    %rem3A_242 = arith.remsi %get3A_218, %jit3A_225 : i32
    %ne3A_243 = arith.constant 0 : i32
    %ne3A_244 = arith.cmpi ne, %rem3A_242, %ne3A_243 : i32
    %and3A_245 = arith.andi %ne3A_241, %ne3A_244 : i1
    %sub3A_246 = arith.constant 1 : i32
    %sub3A_247 = arith.subi %div3A_226, %sub3A_246 : i32
    %select_n3A_248 = arith.select %and3A_245, %sub3A_247, %div3A_226 : i32
    %mul3A_249 = arith.constant 8 : i32
    %mul3A_250 = arith.muli %select_n3A_248, %mul3A_249 : i32
    %sub3A_251 = arith.subi %get3A_224, %mul3A_250 : i32
    %add3A_252 = arith.constant 64 : i32
    %add3A_253 = arith.addi %sub3A_251, %add3A_252 : i32
    %sub3A_254 = arith.constant 1 : i32
    %sub3A_255 = arith.subi %add3A_253, %sub3A_254 : i32
    %jit3A_256 = arith.constant 64 : i32
    %div3A_257 = arith.divsi %sub3A_255, %jit3A_256 : i32
    %sign3A_258 = arith.constant 0 : i32
    %sign3A_259 = arith.cmpi sgt, %sub3A_255, %sign3A_258 : i32
    %sign3A_260 = arith.extui %sign3A_259 : i1 to i32
    %sign3A_261 = arith.constant 0 : i32
    %sign3A_262 = arith.cmpi slt, %sub3A_255, %sign3A_261 : i32
    %sign3A_263 = arith.extui %sign3A_262 : i1 to i32
    %sign3A_264 = arith.subi %sign3A_260, %sign3A_263 : i32
    %sign3A_265 = arith.constant 0 : i32
    %sign3A_266 = arith.cmpi sgt, %jit3A_256, %sign3A_265 : i32
    %sign3A_267 = arith.extui %sign3A_266 : i1 to i32
    %sign3A_268 = arith.constant 0 : i32
    %sign3A_269 = arith.cmpi slt, %jit3A_256, %sign3A_268 : i32
    %sign3A_270 = arith.extui %sign3A_269 : i1 to i32
    %sign3A_271 = arith.subi %sign3A_267, %sign3A_270 : i32
    %ne3A_272 = arith.cmpi ne, %sign3A_264, %sign3A_271 : i32
    %rem3A_273 = arith.remsi %sub3A_255, %jit3A_256 : i32
    %ne3A_274 = arith.constant 0 : i32
    %ne3A_275 = arith.cmpi ne, %rem3A_273, %ne3A_274 : i32
    %and3A_276 = arith.andi %ne3A_272, %ne3A_275 : i1
    %sub3A_277 = arith.constant 1 : i32
    %sub3A_278 = arith.subi %div3A_257, %sub3A_277 : i32
    %select_n3A_279 = arith.select %and3A_276, %sub3A_278, %div3A_257 : i32
    %while3A_280 = arith.constant 0 : i32
    %while3A_281 = arith.constant 0 : i32
    %while3A_282 = arith.subi %select_n3A_279, %while3A_281 : i32
    %while3A_283 = arith.addi %while3A_281, %while3A_282 : i32
    %while3A_284 = arith.constant 1 : i32
    %while3A_285 = arith.divsi %while3A_282, %while3A_284 : i32
    %while3A_286 = arith.muli %while3A_285, %while3A_284 : i32
    %while3A_287 = arith.addi %while3A_281, %while3A_286 : i32
    %while3A_288 = arith.constant 1 : i32
    scf.for %while3A_290 = %while3A_281 to %while3A_287 step %while3A_288  : i32 {
      %mul3A_291 = arith.constant 64 : i32
      %mul3A_292 = arith.muli %while3A_290, %mul3A_291 : i32
      %add3A_293 = arith.addi %mul3A_250, %mul3A_292 : i32
      %min3A = arith.constant 1984 : i32
      %min3A_294 = arith.minsi %add3A_293, %min3A : i32
      %multiple_of3A = tpu.assume_multiple %min3A_294, 8 : i32
      %get3A_295 = arith.index_cast %multiple_of3A : i32 to index
      %get3A_296 = arith.constant 0 : index
      %get3A_297 = vector.load %arg2[%get3A_295, %get3A_296] : memref<2048x1024xf32, #tpu.memory_space<vmem>>, vector<64x1024xf32>
      %get3A_298 = arith.constant 3 : index
      %get3A_299 = arith.constant 0 : index
      %get3A_300 = arith.constant 0 : index
      %get3A_301 = vector.load %arg3[%get3A_298, %get3A_299, %get3A_300] : memref<4x512x1024xf32, #tpu.memory_space<vmem>>, vector<1x512x1024xf32>
      %get3A_302 = vector.shape_cast %get3A_301 : vector<1x512x1024xf32> to vector<512x1024xf32>
      %dot_general3A = arith.constant dense<0.000000e+00> : vector<64x512xf32>
      %dot_general3A_303 = tpu.matmul %get3A_297, %get3A_302, %dot_general3A {dimension_numbers = #tpu.dot_dimension_numbers<[1], [1], [0], [0], [0, 0, 1, 0], [], []>, transpose_lhs_hint = false} : vector<64x1024xf32>, vector<512x1024xf32>, vector<64x512xf32> -> vector<64x512xf32>
      %get3A_304 = arith.constant 3 : index
      %get3A_305 = arith.constant 0 : index
      %get3A_306 = arith.constant 0 : index
      %get3A_307 = vector.load %arg4[%get3A_304, %get3A_305, %get3A_306] : memref<4x1x512xf32, #tpu.memory_space<vmem>>, vector<1x1x512xf32>
      %get3A_308 = vector.shape_cast %get3A_307 : vector<1x1x512xf32> to vector<1x512xf32>
      %add3A_309 = vector.broadcast %get3A_308 : vector<1x512xf32> to vector<64x512xf32>
      %add3A_310 = arith.addf %dot_general3A_303, %add3A_309 : vector<64x512xf32>
      %mul3A_311 = arith.constant 5.000000e-01 : f32
      %mul3A_312 = vector.broadcast %mul3A_311 : f32 to vector<64x512xf32>
      %mul3A_313 = arith.mulf %mul3A_312, %add3A_310 : vector<64x512xf32>
      %mul3A_314 = arith.constant 0.707106769 : f32
      %mul3A_315 = vector.broadcast %mul3A_314 : f32 to vector<64x512xf32>
      %mul3A_316 = arith.mulf %add3A_310, %mul3A_315 : vector<64x512xf32>
      %erf3A = math.erf %mul3A_316 : vector<64x512xf32>
      %add3A_317 = arith.constant 1.000000e+00 : f32
      %add3A_318 = vector.broadcast %add3A_317 : f32 to vector<64x512xf32>
      %add3A_319 = arith.addf %add3A_318, %erf3A : vector<64x512xf32>
      %mul3A_320 = arith.mulf %mul3A_313, %add3A_319 : vector<64x512xf32>
      %get3A_321 = arith.constant 3 : index
      %get3A_322 = arith.constant 0 : index
      %get3A_323 = arith.constant 0 : index
      %get3A_324 = vector.load %arg5[%get3A_321, %get3A_322, %get3A_323] : memref<4x1024x512xf32, #tpu.memory_space<vmem>>, vector<1x1024x512xf32>
      %get3A_325 = vector.shape_cast %get3A_324 : vector<1x1024x512xf32> to vector<1024x512xf32>
      %dot_general3A_326 = arith.constant dense<0.000000e+00> : vector<64x1024xf32>
      %dot_general3A_327 = tpu.matmul %mul3A_320, %get3A_325, %dot_general3A_326 {dimension_numbers = #tpu.dot_dimension_numbers<[1], [1], [0], [0], [0, 0, 1, 0], [], []>, transpose_lhs_hint = false} : vector<64x512xf32>, vector<1024x512xf32>, vector<64x1024xf32> -> vector<64x1024xf32>
      %get3A_328 = arith.constant 3 : index
      %get3A_329 = arith.constant 0 : index
      %get3A_330 = arith.constant 0 : index
      %get3A_331 = vector.load %arg6[%get3A_328, %get3A_329, %get3A_330] : memref<4x1x1024xf32, #tpu.memory_space<vmem>>, vector<1x1x1024xf32>
      %get3A_332 = vector.shape_cast %get3A_331 : vector<1x1x1024xf32> to vector<1x1024xf32>
      %add3A_333 = vector.broadcast %get3A_332 : vector<1x1024xf32> to vector<64x1024xf32>
      %add3A_334 = arith.addf %dot_general3A_327, %add3A_333 : vector<64x1024xf32>
      %get3A_335 = arith.constant 0 : index
      %get3A_336 = arith.constant 0 : index
      %get3A_337 = vector.load %arg7[%get3A_335, %get3A_336] : memref<512x1024xf32, #tpu.memory_space<vmem>>, vector<512x1024xf32>
      %dot_general3A_338 = arith.constant dense<0.000000e+00> : vector<64x512xf32>
      %dot_general3A_339 = tpu.matmul %get3A_297, %get3A_337, %dot_general3A_338 {dimension_numbers = #tpu.dot_dimension_numbers<[1], [1], [0], [0], [0, 0, 1, 0], [], []>, transpose_lhs_hint = false} : vector<64x1024xf32>, vector<512x1024xf32>, vector<64x512xf32> -> vector<64x512xf32>
      %get3A_340 = arith.constant 0 : index
      %get3A_341 = arith.constant 0 : index
      %get3A_342 = vector.load %arg8[%get3A_340, %get3A_341] : memref<1x512xf32, #tpu.memory_space<vmem>>, vector<1x512xf32>
      %add3A_343 = vector.broadcast %get3A_342 : vector<1x512xf32> to vector<64x512xf32>
      %add3A_344 = arith.addf %dot_general3A_339, %add3A_343 : vector<64x512xf32>
      %mul3A_345 = arith.constant 5.000000e-01 : f32
      %mul3A_346 = vector.broadcast %mul3A_345 : f32 to vector<64x512xf32>
      %mul3A_347 = arith.mulf %mul3A_346, %add3A_344 : vector<64x512xf32>
      %mul3A_348 = arith.constant 0.707106769 : f32
      %mul3A_349 = vector.broadcast %mul3A_348 : f32 to vector<64x512xf32>
      %mul3A_350 = arith.mulf %add3A_344, %mul3A_349 : vector<64x512xf32>
      %erf3A_351 = math.erf %mul3A_350 : vector<64x512xf32>
      %add3A_352 = arith.constant 1.000000e+00 : f32
      %add3A_353 = vector.broadcast %add3A_352 : f32 to vector<64x512xf32>
      %add3A_354 = arith.addf %add3A_353, %erf3A_351 : vector<64x512xf32>
      %mul3A_355 = arith.mulf %mul3A_347, %add3A_354 : vector<64x512xf32>
      %get3A_356 = arith.constant 0 : index
      %get3A_357 = arith.constant 0 : index
      %get3A_358 = vector.load %arg9[%get3A_356, %get3A_357] : memref<1024x512xf32, #tpu.memory_space<vmem>>, vector<1024x512xf32>
      %dot_general3A_359 = arith.constant dense<0.000000e+00> : vector<64x1024xf32>
      %dot_general3A_360 = tpu.matmul %mul3A_355, %get3A_358, %dot_general3A_359 {dimension_numbers = #tpu.dot_dimension_numbers<[1], [1], [0], [0], [0, 0, 1, 0], [], []>, transpose_lhs_hint = false} : vector<64x512xf32>, vector<1024x512xf32>, vector<64x1024xf32> -> vector<64x1024xf32>
      %add3A_361 = arith.addf %add3A_334, %dot_general3A_360 : vector<64x1024xf32>
      %get3A_362 = arith.constant 0 : index
      %get3A_363 = arith.constant 0 : index
      %get3A_364 = vector.load %arg10[%get3A_362, %get3A_363] : memref<1x1024xf32, #tpu.memory_space<vmem>>, vector<1x1024xf32>
      %add3A_365 = vector.broadcast %get3A_364 : vector<1x1024xf32> to vector<64x1024xf32>
      %add3A_366 = arith.addf %add3A_361, %add3A_365 : vector<64x1024xf32>
      %iota3A = tpu.iota {dimensions = array<i32: 0>} : vector<64x1xi32>
      %add3A_367 = vector.broadcast %multiple_of3A : i32 to vector<64x1xi32>
      %add3A_368 = arith.addi %add3A_367, %iota3A : vector<64x1xi32>
      %ge3A = vector.broadcast %get3A_218 : i32 to vector<64x1xi32>
      %ge3A_369 = arith.cmpi sge, %add3A_368, %ge3A : vector<64x1xi32>
      %lt3A = vector.broadcast %get3A_224 : i32 to vector<64x1xi32>
      %lt3A_370 = arith.cmpi slt, %add3A_368, %lt3A : vector<64x1xi32>
      %and3A_371 = arith.andi %ge3A_369, %lt3A_370 : vector<64x1xi1>
      %get3A_372 = arith.index_cast %multiple_of3A : i32 to index
      %get3A_373 = arith.constant 0 : index
      %get3A_374 = vector.load %arg11[%get3A_372, %get3A_373] : memref<2048x1024xf32, #tpu.memory_space<vmem>>, vector<64x1024xf32>
      %broadcast_in_dim3A = vector.shape_cast %and3A_371 : vector<64x1xi1> to vector<64x1xi1>
      %broadcast_in_dim3A_375 = vector.broadcast %broadcast_in_dim3A : vector<64x1xi1> to vector<64x1024xi1>
      %select_n3A_376 = arith.select %broadcast_in_dim3A_375, %add3A_366, %get3A_374 : vector<64x1024xi1>, vector<64x1024xf32>
      %swap3A = arith.index_cast %multiple_of3A : i32 to index
      %swap3A_377 = arith.constant 0 : index
      %swap3A_378 = vector.load %arg11[%swap3A, %swap3A_377] : memref<2048x1024xf32, #tpu.memory_space<vmem>>, vector<64x1024xf32>
      tpu.vector_store %arg11[%swap3A, %swap3A_377], %select_n3A_376 {strides = array<i32>} : memref<2048x1024xf32, #tpu.memory_space<vmem>>, vector<64x1024xf32>,
    }
    %while3A_289 = arith.constant 1 : i32
    scf.for %while3A_290 = %while3A_287 to %while3A_283 step %while3A_289  : i32 {
      %mul3A_291 = arith.constant 64 : i32
      %mul3A_292 = arith.muli %while3A_290, %mul3A_291 : i32
      %add3A_293 = arith.addi %mul3A_250, %mul3A_292 : i32
      %min3A = arith.constant 1984 : i32
      %min3A_294 = arith.minsi %add3A_293, %min3A : i32
      %multiple_of3A = tpu.assume_multiple %min3A_294, 8 : i32
      %get3A_295 = arith.index_cast %multiple_of3A : i32 to index
      %get3A_296 = arith.constant 0 : index
      %get3A_297 = vector.load %arg2[%get3A_295, %get3A_296] : memref<2048x1024xf32, #tpu.memory_space<vmem>>, vector<64x1024xf32>
      %get3A_298 = arith.constant 3 : index
      %get3A_299 = arith.constant 0 : index
      %get3A_300 = arith.constant 0 : index
      %get3A_301 = vector.load %arg3[%get3A_298, %get3A_299, %get3A_300] : memref<4x512x1024xf32, #tpu.memory_space<vmem>>, vector<1x512x1024xf32>
      %get3A_302 = vector.shape_cast %get3A_301 : vector<1x512x1024xf32> to vector<512x1024xf32>
      %dot_general3A = arith.constant dense<0.000000e+00> : vector<64x512xf32>
      %dot_general3A_303 = tpu.matmul %get3A_297, %get3A_302, %dot_general3A {dimension_numbers = #tpu.dot_dimension_numbers<[1], [1], [0], [0], [0, 0, 1, 0], [], []>, transpose_lhs_hint = false} : vector<64x1024xf32>, vector<512x1024xf32>, vector<64x512xf32> -> vector<64x512xf32>
      %get3A_304 = arith.constant 3 : index
      %get3A_305 = arith.constant 0 : index
      %get3A_306 = arith.constant 0 : index
      %get3A_307 = vector.load %arg4[%get3A_304, %get3A_305, %get3A_306] : memref<4x1x512xf32, #tpu.memory_space<vmem>>, vector<1x1x512xf32>
      %get3A_308 = vector.shape_cast %get3A_307 : vector<1x1x512xf32> to vector<1x512xf32>
      %add3A_309 = vector.broadcast %get3A_308 : vector<1x512xf32> to vector<64x512xf32>
      %add3A_310 = arith.addf %dot_general3A_303, %add3A_309 : vector<64x512xf32>
      %mul3A_311 = arith.constant 5.000000e-01 : f32
      %mul3A_312 = vector.broadcast %mul3A_311 : f32 to vector<64x512xf32>
      %mul3A_313 = arith.mulf %mul3A_312, %add3A_310 : vector<64x512xf32>
      %mul3A_314 = arith.constant 0.707106769 : f32
      %mul3A_315 = vector.broadcast %mul3A_314 : f32 to vector<64x512xf32>
      %mul3A_316 = arith.mulf %add3A_310, %mul3A_315 : vector<64x512xf32>
      %erf3A = math.erf %mul3A_316 : vector<64x512xf32>
      %add3A_317 = arith.constant 1.000000e+00 : f32
      %add3A_318 = vector.broadcast %add3A_317 : f32 to vector<64x512xf32>
      %add3A_319 = arith.addf %add3A_318, %erf3A : vector<64x512xf32>
      %mul3A_320 = arith.mulf %mul3A_313, %add3A_319 : vector<64x512xf32>
      %get3A_321 = arith.constant 3 : index
      %get3A_322 = arith.constant 0 : index
      %get3A_323 = arith.constant 0 : index
      %get3A_324 = vector.load %arg5[%get3A_321, %get3A_322, %get3A_323] : memref<4x1024x512xf32, #tpu.memory_space<vmem>>, vector<1x1024x512xf32>
      %get3A_325 = vector.shape_cast %get3A_324 : vector<1x1024x512xf32> to vector<1024x512xf32>
      %dot_general3A_326 = arith.constant dense<0.000000e+00> : vector<64x1024xf32>
      %dot_general3A_327 = tpu.matmul %mul3A_320, %get3A_325, %dot_general3A_326 {dimension_numbers = #tpu.dot_dimension_numbers<[1], [1], [0], [0], [0, 0, 1, 0], [], []>, transpose_lhs_hint = false} : vector<64x512xf32>, vector<1024x512xf32>, vector<64x1024xf32> -> vector<64x1024xf32>
      %get3A_328 = arith.constant 3 : index
      %get3A_329 = arith.constant 0 : index
      %get3A_330 = arith.constant 0 : index
      %get3A_331 = vector.load %arg6[%get3A_328, %get3A_329, %get3A_330] : memref<4x1x1024xf32, #tpu.memory_space<vmem>>, vector<1x1x1024xf32>
      %get3A_332 = vector.shape_cast %get3A_331 : vector<1x1x1024xf32> to vector<1x1024xf32>
      %add3A_333 = vector.broadcast %get3A_332 : vector<1x1024xf32> to vector<64x1024xf32>
      %add3A_334 = arith.addf %dot_general3A_327, %add3A_333 : vector<64x1024xf32>
      %get3A_335 = arith.constant 0 : index
      %get3A_336 = arith.constant 0 : index
      %get3A_337 = vector.load %arg7[%get3A_335, %get3A_336] : memref<512x1024xf32, #tpu.memory_space<vmem>>, vector<512x1024xf32>
      %dot_general3A_338 = arith.constant dense<0.000000e+00> : vector<64x512xf32>
      %dot_general3A_339 = tpu.matmul %get3A_297, %get3A_337, %dot_general3A_338 {dimension_numbers = #tpu.dot_dimension_numbers<[1], [1], [0], [0], [0, 0, 1, 0], [], []>, transpose_lhs_hint = false} : vector<64x1024xf32>, vector<512x1024xf32>, vector<64x512xf32> -> vector<64x512xf32>
      %get3A_340 = arith.constant 0 : index
      %get3A_341 = arith.constant 0 : index
      %get3A_342 = vector.load %arg8[%get3A_340, %get3A_341] : memref<1x512xf32, #tpu.memory_space<vmem>>, vector<1x512xf32>
      %add3A_343 = vector.broadcast %get3A_342 : vector<1x512xf32> to vector<64x512xf32>
      %add3A_344 = arith.addf %dot_general3A_339, %add3A_343 : vector<64x512xf32>
      %mul3A_345 = arith.constant 5.000000e-01 : f32
      %mul3A_346 = vector.broadcast %mul3A_345 : f32 to vector<64x512xf32>
      %mul3A_347 = arith.mulf %mul3A_346, %add3A_344 : vector<64x512xf32>
      %mul3A_348 = arith.constant 0.707106769 : f32
      %mul3A_349 = vector.broadcast %mul3A_348 : f32 to vector<64x512xf32>
      %mul3A_350 = arith.mulf %add3A_344, %mul3A_349 : vector<64x512xf32>
      %erf3A_351 = math.erf %mul3A_350 : vector<64x512xf32>
      %add3A_352 = arith.constant 1.000000e+00 : f32
      %add3A_353 = vector.broadcast %add3A_352 : f32 to vector<64x512xf32>
      %add3A_354 = arith.addf %add3A_353, %erf3A_351 : vector<64x512xf32>
      %mul3A_355 = arith.mulf %mul3A_347, %add3A_354 : vector<64x512xf32>
      %get3A_356 = arith.constant 0 : index
      %get3A_357 = arith.constant 0 : index
      %get3A_358 = vector.load %arg9[%get3A_356, %get3A_357] : memref<1024x512xf32, #tpu.memory_space<vmem>>, vector<1024x512xf32>
      %dot_general3A_359 = arith.constant dense<0.000000e+00> : vector<64x1024xf32>
      %dot_general3A_360 = tpu.matmul %mul3A_355, %get3A_358, %dot_general3A_359 {dimension_numbers = #tpu.dot_dimension_numbers<[1], [1], [0], [0], [0, 0, 1, 0], [], []>, transpose_lhs_hint = false} : vector<64x512xf32>, vector<1024x512xf32>, vector<64x1024xf32> -> vector<64x1024xf32>
      %add3A_361 = arith.addf %add3A_334, %dot_general3A_360 : vector<64x1024xf32>
      %get3A_362 = arith.constant 0 : index
      %get3A_363 = arith.constant 0 : index
      %get3A_364 = vector.load %arg10[%get3A_362, %get3A_363] : memref<1x1024xf32, #tpu.memory_space<vmem>>, vector<1x1024xf32>
      %add3A_365 = vector.broadcast %get3A_364 : vector<1x1024xf32> to vector<64x1024xf32>
      %add3A_366 = arith.addf %add3A_361, %add3A_365 : vector<64x1024xf32>
      %iota3A = tpu.iota {dimensions = array<i32: 0>} : vector<64x1xi32>
      %add3A_367 = vector.broadcast %multiple_of3A : i32 to vector<64x1xi32>
      %add3A_368 = arith.addi %add3A_367, %iota3A : vector<64x1xi32>
      %ge3A = vector.broadcast %get3A_218 : i32 to vector<64x1xi32>
      %ge3A_369 = arith.cmpi sge, %add3A_368, %ge3A : vector<64x1xi32>
      %lt3A = vector.broadcast %get3A_224 : i32 to vector<64x1xi32>
      %lt3A_370 = arith.cmpi slt, %add3A_368, %lt3A : vector<64x1xi32>
      %and3A_371 = arith.andi %ge3A_369, %lt3A_370 : vector<64x1xi1>
      %get3A_372 = arith.index_cast %multiple_of3A : i32 to index
      %get3A_373 = arith.constant 0 : index
      %get3A_374 = vector.load %arg11[%get3A_372, %get3A_373] : memref<2048x1024xf32, #tpu.memory_space<vmem>>, vector<64x1024xf32>
      %broadcast_in_dim3A = vector.shape_cast %and3A_371 : vector<64x1xi1> to vector<64x1xi1>
      %broadcast_in_dim3A_375 = vector.broadcast %broadcast_in_dim3A : vector<64x1xi1> to vector<64x1024xi1>
      %select_n3A_376 = arith.select %broadcast_in_dim3A_375, %add3A_366, %get3A_374 : vector<64x1024xi1>, vector<64x1024xf32>
      %swap3A = arith.index_cast %multiple_of3A : i32 to index
      %swap3A_377 = arith.constant 0 : index
      %swap3A_378 = vector.load %arg11[%swap3A, %swap3A_377] : memref<2048x1024xf32, #tpu.memory_space<vmem>>, vector<64x1024xf32>
      tpu.vector_store %arg11[%swap3A, %swap3A_377], %select_n3A_376 {strides = array<i32>} : memref<2048x1024xf32, #tpu.memory_space<vmem>>, vector<64x1024xf32>,
    }
    return
  }
  func.func @transform_0(%arg0: i32, %arg1: memref<65xi32, #tpu.memory_space<smem>>) -> (i32, i32) {
    %c0_i32 = arith.constant 0 : i32
    %c0_i32_0 = arith.constant 0 : i32
    %c0_i32_1 = arith.constant 0 : i32
    return %c0_i32, %c0_i32_0 : i32, i32
  }
  func.func @transform_1(%arg0: i32, %arg1: memref<65xi32, #tpu.memory_space<smem>>) -> (i32, i32, i32) {
    %c0_i32 = arith.constant 0 : i32
    %c0_i32_0 = arith.constant 0 : i32
    %c0_i32_1 = arith.constant 0 : i32
    return %arg0, %c0_i32, %c0_i32_0 : i32, i32, i32
  }
  func.func @transform_2(%arg0: i32, %arg1: memref<65xi32, #tpu.memory_space<smem>>) -> (i32, i32, i32) {
    %c0_i32 = arith.constant 0 : i32
    %c0_i32_0 = arith.constant 0 : i32
    %c0_i32_1 = arith.constant 0 : i32
    return %arg0, %c0_i32, %c0_i32_0 : i32, i32, i32
  }
  func.func @transform_3(%arg0: i32, %arg1: memref<65xi32, #tpu.memory_space<smem>>) -> (i32, i32, i32) {
    %c0_i32 = arith.constant 0 : i32
    %c0_i32_0 = arith.constant 0 : i32
    %c0_i32_1 = arith.constant 0 : i32
    return %arg0, %c0_i32, %c0_i32_0 : i32, i32, i32
  }
  func.func @transform_4(%arg0: i32, %arg1: memref<65xi32, #tpu.memory_space<smem>>) -> (i32, i32, i32) {
    %c0_i32 = arith.constant 0 : i32
    %c0_i32_0 = arith.constant 0 : i32
    %c0_i32_1 = arith.constant 0 : i32
    return %arg0, %c0_i32, %c0_i32_0 : i32, i32, i32
  }
  func.func @transform_5(%arg0: i32, %arg1: memref<65xi32, #tpu.memory_space<smem>>) -> (i32, i32) {
    %c0_i32 = arith.constant 0 : i32
    %c0_i32_0 = arith.constant 0 : i32
    %c0_i32_1 = arith.constant 0 : i32
    return %c0_i32, %c0_i32_0 : i32, i32
  }
  func.func @transform_6(%arg0: i32, %arg1: memref<65xi32, #tpu.memory_space<smem>>) -> (i32, i32) {
    %c0_i32 = arith.constant 0 : i32
    %c0_i32_0 = arith.constant 0 : i32
    %c0_i32_1 = arith.constant 0 : i32
    return %c0_i32, %c0_i32_0 : i32, i32
  }
  func.func @transform_7(%arg0: i32, %arg1: memref<65xi32, #tpu.memory_space<smem>>) -> (i32, i32) {
    %c0_i32 = arith.constant 0 : i32
    %c0_i32_0 = arith.constant 0 : i32
    %c0_i32_1 = arith.constant 0 : i32
    return %c0_i32, %c0_i32_0 : i32, i32
  }
  func.func @transform_8(%arg0: i32, %arg1: memref<65xi32, #tpu.memory_space<smem>>) -> (i32, i32) {
    %c0_i32 = arith.constant 0 : i32
    %c0_i32_0 = arith.constant 0 : i32
    %c0_i32_1 = arith.constant 0 : i32
    return %c0_i32, %c0_i32_0 : i32, i32
  }
  func.func @transform_9(%arg0: i32, %arg1: memref<65xi32, #tpu.memory_space<smem>>) -> (i32, i32) {
    %c0_i32 = arith.constant 0 : i32
    %c0_i32_0 = arith.constant 0 : i32
    %c0_i32_1 = arith.constant 0 : i32
    return %c0_i32, %c0_i32_0 : i32, i32
  }
}

</mosaic_0001>

<sc_bundles>
// kernel: kernel.6.cloned.1.call-start
scs
__scs_entry_jumppad:
0x0: {  	(pc) =	sbr.rel $0x88, $3  }
0x1: {  	(tag) =	ssettag $0x0;
	lr =	simm.s32 $0x1  }
0x2: {  	[smem:$0x3F96] =	sst lr;
	_ =	strace $0xD0000000  }
0x3: {  	_ = 	snop  }
0x4: {  	_ = 	snop  }
0x5: {  	_ = 	snop  }
0x6: {  	_ = 	snop  }
0x7: {  	_ = 	snop  }
__scs_overlays_trampoline_lowered:
0x8: {  	[smem:$0x3FA5] =	sst s0  }
0x9: {  	[smem:$0x3FA6] =	sst s1  }
0xa: {  	[smem:$0x3FA7] =	sst s2  }
0xb: {  	[smem:$0x3FA8] =	sst s3  }
0xc: {  	[smem:$0x3FA9] =	sst s4  }
0xd: {  	[smem:$0x3FAA] =	sst s5  }
0xe: {  	[smem:$0x3FAB] =	sst s6  }
0xf: {  	[smem:$0x3FAC] =	sst s7  }
0x10: {  	[smem:$0x3FAD] =	sst s8  }
0x11: {  	[smem:$0x3FAE] =	sst s9;
	s0 =	simm.s32 @!p0 $0x0  }
0x12: {  	s1 =	sld [smem:$0x3F94];
	s0 =	simm.s32 @p0 $0x1  }
0x13: {  	[smem:$0x3FAF] =	sst s0;
	s0 =	simm.s32 @!p1 $0x0  }
0x14: {  	s2 =	sld [smem:$0x3F93];
	s0 =	simm.s32 @p1 $0x1  }
0x15: {  	[smem:$0x3FB0] =	sst s0;
	s0 =	simm.s32 @!p2 $0x0  }
0x16: {  	s3 =	sld [smem:$0x3FDB];
	s0 =	simm.s32 @p2 $0x1  }
0x17: {  	s4 =	simm.s32 $0x1BF5;
	[smem:$0x3FB2] =	sst s0  }
0x18: {  	s0 =	sld [smem:$0x3F95];
	_ =	swait.ge [sflag:s4], $0x0  }
0x19: {  	s7 =	sld [smem:$0x3F96]  }
0x1a: {  	s8 =	sadd.s32 $0xFFFFE003, lr  }
0x1b: {  	s9 =	sadd.s32 $0xFFFFFEF7, lr;
	s5 =	simm.s32 $0xFFFFFFFF;
	p2 =	slt.u32 s8, $0xFFFFF086  }
0x1c: {  	p1 =	slt.u32 s9, $0xF7A;
	s5 =	simm.s32 @!p2 $0x0  }
0x1d: {  	s5 =	simm.s32 @p1 $0x1;
	p0 =	seq.s32 s7, s2  }
0x1e: {  	s7 =	smul.u32 @!p0 $0xF7A, s2;
	p2 =	seq.s32 @!p0 s5, $0x0  }
0x1f: {  	s9 =	smul.u32 $0xF7A, s1;
	s8 =	simm.s32 @!p0 $0x1BF5;
	p2 =	por !p2, p0  }
0x20: {  	[sflag:s8] =	ssyncset.s32 @!p0 $0xFFFFF086;
	s6 =	sadd.s32 @!p0 s3, s7;
	s7 =	simm.s32 @!p0 $0x108  }
0x21: {  	s3 =	sadd.s32 s3, s9;
	s6 =	sadd.s32 @!p0 $0x88, s6;
	s7 =	simm.s32 @p2 $0x1082  }
0x22: {  	[simem:s7], [sflag:s8] =	dma.local @!p0 [hbm:s6], $0xF7A  }
0x23: {  	s9 =	sor.u32 $0xD0000000, s2;
	s6 =	simm.s32 $0x108;
	_ =	swait.ge @!p0 [sflag:s8], $0x0  }
0x24: {  	s3 =	sadd.s32 $0x88, s3;
	s6 =	simm.s32 @!p1 $0x1082;
	[sflag:s4] =	ssyncset.s32 $0xFFFFF086  }
0x25: {  	[simem:s6], [sflag:s4] =	dma.local [hbm:s3], $0xF7A  }
0x26: {  	[smem:$0x3F96] =	sst s1;
	(tag) =	ssettag s2;
	_ =	strace s9  }
0x27: {  	s1 =	sld [smem:$0x3FA6]  }
0x28: {  	s2 =	sld [smem:$0x3FA7]  }
0x29: {  	s4 =	sld [smem:$0x3FA9]  }
0x2a: {  	p0 =	seq.s32 s5, $0x0;
	s5 =	sld [smem:$0x3FAA]  }
0x2b: {  	s6 =	sld [smem:$0x3FAB]  }
0x2c: {  	s7 =	sld [smem:$0x3FAC]  }
0x2d: {  	s3 =	simm.s32 $0x108;
	s8 =	sld [smem:$0x3FAD]  }
0x2e: {  	s3 =	simm.s32 @!p0 $0x1082;
	s9 =	sld [smem:$0x3FAE]  }
0x2f: {  	lr =	sadd.s32 s0, s3;
	s0 =	sld [smem:$0x3FA5]  }
0x30: {  	s3 =	sld [smem:$0x3FA8]  }
0x31: {  	[smem:$0x3FB1] =	sst s10  }
0x32: {  	s10 =	sld [smem:$0x3FAF];
	_ =	sdelay $0x3  }
0x33: {  	p0 =	seq.s32 s10, $0x1;
	s10 =	sld [smem:$0x3FB1];
	_ =	sdelay $0x3  }
0x34: {  	[smem:$0x3FB1] =	sst s10  }
0x35: {  	s10 =	sld [smem:$0x3FB0];
	_ =	sdelay $0x3  }
0x36: {  	p1 =	seq.s32 s10, $0x1;
	s10 =	sld [smem:$0x3FB1];
	_ =	sdelay $0x3  }
0x37: {  	[smem:$0x3FB1] =	sst s10  }
0x38: {  	s10 =	sld [smem:$0x3FB2]  }
0x39: {  	_ = 	snop;
	(pc) =	sbr.ind lr, $3  }
0x3a: {  	_ = 	snop  }
0x3b: {  	_ = 	snop  }
0x3c: {  	p2 =	seq.s32 s10, $0x1;
	s10 =	sld [smem:$0x3FB1]  }
0x3d: {  	_ =	shalt  }
0x3e: {  	_ =	shalt  }
0x3f: {  	_ =	shalt  }
0x40: {  	_ =	shalt  }
0x41: {  	_ =	shalt  }
0x42: {  	_ =	shalt  }
0x43: {  	_ =	shalt  }
0x44: {  	_ =	shalt  }
0x45: {  	_ =	shalt  }
0x46: {  	_ =	shalt  }
0x47: {  	_ =	shalt  }
0x48: {  	_ =	shalt  }
0x49: {  	_ =	shalt  }
0x4a: {  	_ =	shalt  }
0x4b: {  	_ =	shalt  }
0x4c: {  	_ =	shalt  }
0x4d: {  	_ =	shalt  }
0x4e: {  	_ =	shalt  }
0x4f: {  	_ =	shalt  }
0x50: {  	_ =	shalt  }
0x51: {  	_ =	shalt  }
0x52: {  	_ =	shalt  }
0x53: {  	_ =	shalt  }
0x54: {  	_ =	shalt  }
0x55: {  	_ =	shalt  }
0x56: {  	_ =	shalt  }
0x57: {  	_ =	shalt  }
0x58: {  	_ =	shalt  }
0x59: {  	_ =	shalt  }
0x5a: {  	_ =	shalt  }
0x5b: {  	_ =	shalt  }
0x5c: {  	_ =	shalt  }
0x5d: {  	_ =	shalt  }
0x5e: {  	_ =	shalt  }
0x5f: {  	_ =	shalt  }
0x60: {  	_ =	shalt  }
0x61: {  	_ =	shalt  }
0x62: {  	_ =	shalt  }
0x63: {  	_ =	shalt  }
0x64: {  	_ =	shalt  }
0x65: {  	_ =	shalt  }
0x66: {  	_ =	shalt  }
0x67: {  	_ =	shalt  }
0x68: {  	_ =	shalt  }
0x69: {  	_ =	shalt  }
0x6a: {  	_ =	shalt  }
0x6b: {  	_ =	shalt  }
0x6c: {  	_ =	shalt  }
0x6d: {  	_ =	shalt  }
0x6e: {  	_ =	shalt  }
0x6f: {  	_ =	shalt  }
0x70: {  	_ =	shalt  }
0x71: {  	_ =	shalt  }
0x72: {  	_ =	shalt  }
0x73: {  	_ =	shalt  }
0x74: {  	_ =	shalt  }
0x75: {  	_ =	shalt  }
0x76: {  	_ =	shalt  }
0x77: {  	_ =	shalt  }
0x78: {  	_ =	shalt  }
0x79: {  	_ =	shalt  }
0x7a: {  	_ =	shalt  }
0x7b: {  	_ =	shalt  }
0x7c: {  	_ =	shalt  }
0x7d: {  	_ =	shalt  }
0x7e: {  	_ =	shalt  }
0x7f: {  	_ =	shalt  }
0x80: {  	_ =	shalt  }
0x81: {  	_ =	shalt  }
0x82: {  	_ =	shalt  }
0x83: {  	_ =	shalt  }
0x84: {  	_ =	shalt  }
0x85: {  	_ =	shalt  }
0x86: {  	_ =	shalt  }
0x87: {  	_ =	shalt  }
.Lfunc_end0:
.L_simem_size_0:
called_computation_lowered:
.L_overlay_start_0:
0x88: {  	s2 =	sld [smem:$0x3FD9]  }
0x89: {  	s3 =	sld [smem:$0x3FFE];
	_ =	sdelay $0x1  }
0x8a: {  	s1 =	srdreg.scid  }
0x8b: {  	s0 =	sand.u32 $0x1, s1  }
0x8c: {  	s17 =	sshll.u32 s0, $0xA;
	s2 =	sadd.s32 s3, s2  }
0x8d: {  	s2 =	sadd.s32 s2, s17  }
0x8e: {  	[smem:$0x3FBD] =	sst s2  }
0x8f: {  	_ = 	snop  }
0x90: {  	s2 =	sld [smem:$0x3FC9]  }
0x91: {  	s18 =	sld [smem:$0x3FD0];
	(tm) =	ssettm $0x1  }
0x92: {  	s4 =	sld [smem:$0x3FFB];
	_ =	sdelay $0x3  }
0x93: {  	_ =	strace s4  }
0x94: {  	s4 =	sld [smem:$0x3FFC];
	_ =	sdelay $0x3  }
0x95: {  	_ =	strace s4  }
0x96: {  	s4 =	sld [smem:$0x3FFD];
	_ =	sdelay $0x3  }
0x97: {  	_ =	strace s4  }
0x98: {  	_ =	strace $0x8FFFFFFF  }
0x99: {  	s19 =	sld [smem:$0x3FDB];
	_ =	sdelay $0x1  }
0x9a: {  	s5 =	simm.s32 $_scs_section_size  }
0x9b: {  	s6 =	simm.s32 $_size__tile_overlayer_lowered;
	s7 =	simm.s32 $_tile_overlayer_lowered  }
0x9c: {  	s22 =	simm.s32 $0x1BFF;
	s21 =	sshll.u32 s7, $0x1;
	s4 =	sadd.s32 s5, s19  }
0x9d: {  	s8 =	simm.s32 $0x0;
	s20 =	sshll.u32 s6, $0x1;
	s6 =	sadd.s32 s21, s4  }
0x9e: {  	[timem:s8], [sflag:s22] =	dma.local [hbm:s6], s20  }
0x9f: {  	_ =	swait.ge [sflag:s22], s20  }
0xa0: {  	s5 =	ssub.s32 $0x0, s20;
	[sflag:s22] =	ssyncset.done $0x0  }
0xa1: {  	[sflag:s22] =	ssyncadd.s32 s5;
	_ =	sdelay $0x1  }
0xa2: {  	s23 =	simm.s32 $0x1B8B  }
0xa3: {  	_ =	swait.ge [sflag:s23], $0x1  }
0xa4: {  	[sflag:s23] =	ssyncset.done $0x0  }
0xa5: {  	s25 =	simm.s32 $0x1B8E;
	s24 =	sld [smem:$0x3FFE];
	[sflag:s23] =	ssyncadd.s32 $0xFFFFFFFF  }
0xa6: {  	s26 =	simm.s32 $execute0_lowered;
	[smem:$0x3FD2] =	sst s25  }
0xa7: {  	s6 =	sshll.u32 s26, $0x1;
	_ =	strace $0x80000046;
	[dreg:$0x1] =	wrdreg $0xFFFFFFFF  }
0xa8: {  	s28 =	simm.s32 $_size_execute0_lowered;
	s4 =	sadd.s32 s4, s6;
	[dreg:$0x0] =	wrdreg $0x0  }
0xa9: {  	s6 =	sshll.u32 s28, $0x1;
	[dreg:$0x2] =	wrdreg s4  }
0xaa: {  	[dreg:$0x3] =	wrdreg s6  }
0xab: {  	[dreg:$0x4] =	wrdreg $0xC0  }
0xac: {  	_ =	task [dreg:s8], $0x5FFFF  }
0xad: {  	[dreg:$0x1] =	wrdreg $0xFFFFFFFF  }
0xae: {  	[dreg:$0x0] =	wrdreg $0x60  }
0xaf: {  	[dreg:$0x2] =	wrdreg s2  }
0xb0: {  	[dreg:$0x3] =	wrdreg s24  }
0xb1: {  	[dreg:$0x4] =	wrdreg s18  }
0xb2: {  	[dreg:$0x5] =	wrdreg $0x9  }
0xb3: {  	_ =	task.clear_ibuf [dreg:s8], $0x6FFFF;
	_ =	strace $0x90000046  }
0xb4: {  	s29 =	simm.s32 $0x9;
	_ =	strace $0x80000048  }
0xb5: {  	_ =	swait.ge [sflag:s29], $0x1  }
0xb6: {  	[sflag:s29] =	ssyncadd.s32 $0xFFFFFFFF  }
0xb7: {  	_ =	strace $0x90000048  }
0xb8: {  	_ =	sfence  }
0xb9: {  	s30 =	sld [smem:$0x0];
	_ =	sdelay $0x2  }
0xba: {  	s31 =	sshll.u32 s1, $0xD;
	s1 =	sshrl.u32 s1, $0x2  }
0xbb: {  	s3 =	sand.u32 $0x4000, s31;
	s1 =	sadd.s32 s1, s30  }
0xbc: {  	s0 =	sor.u32 s3, s0;
	s1 =	sshll.u32 s1, $0x11  }
0xbd: {  	s0 =	sor.u32 s1, s0  }
0xbe: {  	s0 =	sadd.s32 $0x8F2B, s0  }
0xbf: {  	[sflag:s0] =	ssyncadd.remote.s32 $0x1  }
0xc0: {  	_ =	sfence.sel $0xFFFF  }
0xc1: {  	[dreg:$0x0] =	wrdreg $0xFFFFFFFF;
	(pc) =	sbr.abs _section_cstart, $3  }
0xc2: {  	[dreg:$0x1] =	wrdreg $0xFFFFFFFF  }
0xc3: {  	_ =	task.clear_ibuf [dreg:s8], $0x2FFFF;
	_ =	strace $0x9FFFFFFF  }
0xc4: {  	(tm) =	ssettm $0x7FFFFFFF  }
0xc5: {  	_ =	shalt  }
tec
execute0_lowered:
.L_overlay_start_1:
0x0: {  	(tag) =	ssettag $0x1  }
0x1: {  	s0 =	rddreg [dreg:$0x0]  }
0x2: {  	s4 =	rddreg [dreg:$0x1];
	s3 =	srdreg.scid  }
0x3: {  	s2 =	rddreg [dreg:$0x2];
	s5 =	sand.u32 $0x1, s3;
	s3 =	simm.s32 $0x0  }
0x4: {  	s11 =	simm.s32 $0x80;
	[smem:$0x7FF] =	sst s3  }
0x5: {  	s12 =	simm.s32 $0x900;
	_ =	strace $0x80000047;
	[dreg:$0x8] =	wrdreg s11  }
0x6: {  	s13 =	simm.s32 $0x1100;
	[dreg:$0x9] =	wrdreg s12  }
0x7: {  	s15 =	simm.s32 $0x1900;
	[dreg:$0xa] =	wrdreg s13  }
0x8: {  	s1 =	stileid.u32;
	s16 =	simm.s32 $0x2100;
	[dreg:$0xb] =	wrdreg s15  }
0x9: {  	s18 =	simm.s32 $0x2900;
	s19 =	simm.s32 $0x3100;
	[dreg:$0xc] =	wrdreg s16  }
0xa: {  	s20 =	simm.s32 $0x3900;
	s21 =	simm.s32 $0x4100;
	[dreg:$0xd] =	wrdreg s18  }
0xb: {  	s22 =	simm.s32 $0x4900;
	s23 =	simm.s32 $0x5100;
	[dreg:$0xe] =	wrdreg s19  }
0xc: {  	s24 =	simm.s32 $0x5900;
	s25 =	simm.s32 $0x6100;
	[dreg:$0xf] =	wrdreg s20  }
0xd: {  	s26 =	simm.s32 $0x6900;
	s28 =	simm.s32 $0xE900;
	[dreg:$0x10] =	wrdreg s21  }
0xe: {  	s29 =	simm.s32 $0xF100;
	s30 =	simm.s32 $0xF900;
	[dreg:$0x11] =	wrdreg s22  }
0xf: {  	s31 =	simm.s32 $0x3;
	s6 =	sshll.u32 s1, $0x7;
	[dreg:$0x12] =	wrdreg s23  }
0x10: {  	s4 =	sadd.s32 $0x1C00, s4;
	s7 =	sshll.u32 s5, $0x6;
	[dreg:$0x13] =	wrdreg s24  }
0x11: {  	s14 =	ssub.s32 $0x2, s5;
	s6 =	sor.u32 s7, s6;
	[dreg:$0x14] =	wrdreg s25  }
0x12: {  	s5 =	sshrl.u32 s14, $0x1;
	s11 =	simm.s32 $0x1;
	[dreg:$0x15] =	wrdreg s26  }
0x13: {  	s13 =	simm.s32 $0x7900;
	s15 =	simm.s32 $0x8900;
	s16 =	simm.s32 $0x9100  }
0x14: {  	s18 =	simm.s32 $0xA100;
	s19 =	simm.s32 $0xA900;
	s20 =	simm.s32 $0xB100  }
0x15: {  	s21 =	simm.s32 $0xB900;
	s22 =	simm.s32 $0xC100;
	s23 =	simm.s32 $0xC900  }
0x16: {  	s24 =	simm.s32 $0xD100;
	s25 =	simm.s32 $0xD900;
	s26 =	simm.s32 $0xE100  }
0x17: {  	s7 =	sshrl.u32 s6, $0x3;
	s8 =	sor.u32 $0x20, s6;
	s6 =	sshll.u32 s6, $0x7  }
0x18: {  	s17 =	ssub.s32 s14, s5;
	s5 =	sadd.s32 $0x200, s2;
	s14 =	simm.s32 $0x2  }
0x19: {  	s7 =	sadd.s32 s4, s7;
	s9 =	sshrl.u32 s8, $0x3;
	s10 =	sshll.u32 s8, $0x7  }
0x1a: {  	s8 =	simm.s32 $0x5;
	[dreg:$0x4] =	wrdreg s7;
	s4 =	sadd.s32 s4, s9  }
0x1b: {  	s9 =	sadd.s32 s0, s6;
	s0 =	sadd.s32 s0, s10;
	[dreg:$0x5] =	wrdreg s4  }
0x1c: {  	v2 =	vlaneseq.u32;
	s6 =	sadd.s32 $0x300, s2;
	s7 =	smax.u32 s17, $0x1;
	[dreg:$0x6] =	wrdreg s9  }
0x1d: {  	vm0 =	vmmov $0xffff;
	v1 =	vshrl.u32 v2, $0x3;
	s10 =	simm.s32 $0x8100;
	s17 =	simm.s32 $0x9900;
	[dreg:$0x7] =	wrdreg s0  }
0x1e: {  	v0 =	vand.u32 $0x7, v2;
	v2 =	vor.u32 $0x8, v2;
	v1 =	vmul.u32 $0x8, v1;
	s4 =	sadd.s32 $0x100, s2;
	s9 =	simm.s32 $0x100;
	s0 =	simm.s32 $0x4  }
.LBB2_1:
0x1f: {  	s1 =	rddreg [dreg:$0x4]  }
0x20: {  	[tilespmem:s3], [sflag:$0x5] =	stream.linear.gather [hbm4b:s1+s3], $0x20, $0x38;
	[tilespmem:$0x10100] =	vst v63  }
0x21: {  	_ =	swait.ge [sflag:s8], $0x20  }
0x22: {  	s1 =	rddreg [dreg:$0x5];
	[sflag:s8] =	ssyncset.done $0x0  }
0x23: {  	s12 =	rddreg [dreg:$0x8];
	[sflag:s8] =	ssyncadd.s32 $0xFFFFFFE0  }
0x24: {  	[tilespmem:s12], [sflag:$0x5] =	stream.linear.gather [hbm4b:s1+s3], $0x20, $0x38;
	[tilespmem:$0x10100] =	vst v63  }
0x25: {  	_ =	swait.ge [sflag:s8], $0x20  }
0x26: {  	[sflag:s8] =	ssyncset.done $0x0  }
0x27: {  	s1 =	rddreg [dreg:$0x6];
	[sflag:s8] =	ssyncadd.s32 $0xFFFFFFE0  }
0x28: {  	[tilespmem:s9], [sflag:$0x1] =	stream.linear.gather [hbm4b:s1+s3], $0x8000, $0x38;
	[tilespmem:$0x10100] =	vst v63  }
0x29: {  	s12 =	rddreg [dreg:$0x7]  }
0x2a: {  	[tilespmem:s10], [sflag:$0x2] =	stream.linear.gather [hbm4b:s12+s3], $0x8000, $0x38;
	[tilespmem:$0x10100] =	vst v63  }
0x2b: {  	_ =	swait.ge [sflag:s11], $0x8000  }
0x2c: {  	[sflag:s11] =	ssyncset.done $0x0  }
0x2d: {  	[sflag:s11] =	ssyncadd.s32 $0xFFFF8000  }
0x2e: {  	v3 =	vld [tilespmem:$0x0];
	_ =	sdelay $0x4  }
0x2f: {  	v4 =	vshll.u32 v3, $0x3  }
0x30: {  	v3 =	vand.u32 $0x7, v3;
	v4 =	vand.u32 $0xFFFFFFC0, v4  }
0x31: {  	v3 =	vor.u32 v3, v4  }
0x32: {  	v4 =	vperm.xlane v3, v0;
	_ =	sdelay $0x1  }
0x33: {  	v4 =	vadd.s32 v1, v4;
	_ =	sdelay $0x4  }
0x34: {  	[hbm4b:s2+s3] =	stream.indirect_vreg.scatter [tilespmem:s9], [sflag:$0x3], $0x80, v4, vm0, $0xb8;
	[tilespmem:$0x10100] =	vst v63  }
0x35: {  	s1 =	rddreg [dreg:$0x9];
	v3 =	vperm.xlane v3, v2  }
0x36: {  	[hbm4b:s4+s3] =	stream.indirect_vreg.scatter [tilespmem:s1], [sflag:$0x3], $0x80, v4, vm0, $0xb8;
	[tilespmem:$0x10100] =	vst v63  }
0x37: {  	s12 =	rddreg [dreg:$0xa];
	v3 =	vadd.s32 v1, v3  }
0x38: {  	[hbm4b:s5+s3] =	stream.indirect_vreg.scatter [tilespmem:s12], [sflag:$0x3], $0x80, v4, vm0, $0xb8;
	[tilespmem:$0x10100] =	vst v63  }
0x39: {  	s1 =	rddreg [dreg:$0xb]  }
0x3a: {  	[hbm4b:s6+s3] =	stream.indirect_vreg.scatter [tilespmem:s1], [sflag:$0x3], $0x80, v4, vm0, $0xb8;
	[tilespmem:$0x10100] =	vst v63  }
0x3b: {  	s12 =	rddreg [dreg:$0xc]  }
0x3c: {  	[hbm4b:s2+s3] =	stream.indirect_vreg.scatter [tilespmem:s12], [sflag:$0x3], $0x80, v3, vm0, $0xb8;
	[tilespmem:$0x10100] =	vst v63  }
0x3d: {  	s1 =	rddreg [dreg:$0xd]  }
0x3e: {  	[hbm4b:s4+s3] =	stream.indirect_vreg.scatter [tilespmem:s1], [sflag:$0x3], $0x80, v3, vm0, $0xb8;
	[tilespmem:$0x10100] =	vst v63  }
0x3f: {  	s12 =	rddreg [dreg:$0xe]  }
0x40: {  	[hbm4b:s5+s3] =	stream.indirect_vreg.scatter [tilespmem:s12], [sflag:$0x3], $0x80, v3, vm0, $0xb8;
	[tilespmem:$0x10100] =	vst v63  }
0x41: {  	s1 =	rddreg [dreg:$0xf]  }
0x42: {  	[hbm4b:s6+s3] =	stream.indirect_vreg.scatter [tilespmem:s1], [sflag:$0x3], $0x80, v3, vm0, $0xb8;
	[tilespmem:$0x10100] =	vst v63  }
0x43: {  	v3 =	vld [tilespmem:$0x10];
	_ =	sdelay $0x4  }
0x44: {  	v61 =	vshll.u32 v3, $0x3  }
0x45: {  	v3 =	vand.u32 $0x7, v3;
	v4 =	vand.u32 $0xFFFFFFC0, v61  }
0x46: {  	v3 =	vor.u32 v3, v4  }
0x47: {  	v4 =	vperm.xlane v3, v0;
	_ =	sdelay $0x1  }
0x48: {  	v4 =	vadd.s32 v1, v4;
	_ =	sdelay $0x3  }
0x49: {  	s1 =	rddreg [dreg:$0x10]  }
0x4a: {  	[hbm4b:s2+s3] =	stream.indirect_vreg.scatter [tilespmem:s1], [sflag:$0x3], $0x80, v4, vm0, $0xb8;
	[tilespmem:$0x10100] =	vst v63  }
0x4b: {  	s12 =	rddreg [dreg:$0x11];
	v3 =	vperm.xlane v3, v2  }
0x4c: {  	[hbm4b:s4+s3] =	stream.indirect_vreg.scatter [tilespmem:s12], [sflag:$0x3], $0x80, v4, vm0, $0xb8;
	[tilespmem:$0x10100] =	vst v63  }
0x4d: {  	v3 =	vadd.s32 v1, v3;
	s1 =	rddreg [dreg:$0x12]  }
0x4e: {  	[hbm4b:s5+s3] =	stream.indirect_vreg.scatter [tilespmem:s1], [sflag:$0x3], $0x80, v4, vm0, $0xb8;
	[tilespmem:$0x10100] =	vst v63  }
0x4f: {  	s12 =	rddreg [dreg:$0x13]  }
0x50: {  	[hbm4b:s6+s3] =	stream.indirect_vreg.scatter [tilespmem:s12], [sflag:$0x3], $0x80, v4, vm0, $0xb8;
	[tilespmem:$0x10100] =	vst v63  }
0x51: {  	s1 =	rddreg [dreg:$0x14]  }
0x52: {  	[hbm4b:s2+s3] =	stream.indirect_vreg.scatter [tilespmem:s1], [sflag:$0x3], $0x80, v3, vm0, $0xb8;
	[tilespmem:$0x10100] =	vst v63  }
0x53: {  	s12 =	rddreg [dreg:$0x15]  }
0x54: {  	[hbm4b:s4+s3] =	stream.indirect_vreg.scatter [tilespmem:s12], [sflag:$0x3], $0x80, v3, vm0, $0xb8;
	[tilespmem:$0x10100] =	vst v63  }
0x55: {  	s12 =	simm.s32 $0x7100  }
0x56: {  	[hbm4b:s5+s3] =	stream.indirect_vreg.scatter [tilespmem:s12], [sflag:$0x3], $0x80, v3, vm0, $0xb8;
	[tilespmem:$0x10100] =	vst v63  }
0x57: {  	_ = 	snop  }
0x58: {  	[hbm4b:s6+s3] =	stream.indirect_vreg.scatter [tilespmem:s13], [sflag:$0x3], $0x80, v3, vm0, $0xb8;
	[tilespmem:$0x10100] =	vst v63  }
0x59: {  	_ =	swait.ge [sflag:s14], $0x8000  }
0x5a: {  	[sflag:s14] =	ssyncset.done $0x0  }
0x5b: {  	[sflag:s14] =	ssyncadd.s32 $0xFFFF8000  }
0x5c: {  	v3 =	vld [tilespmem:$0x80];
	_ =	sdelay $0x4  }
0x5d: {  	v62 =	vshll.u32 v3, $0x3  }
0x5e: {  	v3 =	vand.u32 $0x7, v3;
	v4 =	vand.u32 $0xFFFFFFC0, v62  }
0x5f: {  	v3 =	vor.u32 v3, v4  }
0x60: {  	v4 =	vperm.xlane v3, v0;
	_ =	sdelay $0x1  }
0x61: {  	v4 =	vadd.s32 v1, v4;
	_ =	sdelay $0x4  }
0x62: {  	[hbm4b:s2+s3] =	stream.indirect_vreg.scatter [tilespmem:s10], [sflag:$0x4], $0x80, v4, vm0, $0xb8;
	[tilespmem:$0x10100] =	vst v63  }
0x63: {  	v3 =	vperm.xlane v3, v2  }
0x64: {  	[hbm4b:s4+s3] =	stream.indirect_vreg.scatter [tilespmem:s15], [sflag:$0x4], $0x80, v4, vm0, $0xb8;
	[tilespmem:$0x10100] =	vst v63  }
0x65: {  	v3 =	vadd.s32 v1, v3  }
0x66: {  	[hbm4b:s5+s3] =	stream.indirect_vreg.scatter [tilespmem:s16], [sflag:$0x4], $0x80, v4, vm0, $0xb8;
	[tilespmem:$0x10100] =	vst v63  }
0x67: {  	_ = 	snop  }
0x68: {  	[hbm4b:s6+s3] =	stream.indirect_vreg.scatter [tilespmem:s17], [sflag:$0x4], $0x80, v4, vm0, $0xb8;
	[tilespmem:$0x10100] =	vst v63  }
0x69: {  	_ = 	snop  }
0x6a: {  	[hbm4b:s2+s3] =	stream.indirect_vreg.scatter [tilespmem:s18], [sflag:$0x4], $0x80, v3, vm0, $0xb8;
	[tilespmem:$0x10100] =	vst v63  }
0x6b: {  	_ = 	snop  }
0x6c: {  	[hbm4b:s4+s3] =	stream.indirect_vreg.scatter [tilespmem:s19], [sflag:$0x4], $0x80, v3, vm0, $0xb8;
	[tilespmem:$0x10100] =	vst v63  }
0x6d: {  	_ = 	snop  }
0x6e: {  	[hbm4b:s5+s3] =	stream.indirect_vreg.scatter [tilespmem:s20], [sflag:$0x4], $0x80, v3, vm0, $0xb8;
	[tilespmem:$0x10100] =	vst v63  }
0x6f: {  	_ = 	snop  }
0x70: {  	[hbm4b:s6+s3] =	stream.indirect_vreg.scatter [tilespmem:s21], [sflag:$0x4], $0x80, v3, vm0, $0xb8;
	[tilespmem:$0x10100] =	vst v63  }
0x71: {  	v3 =	vld [tilespmem:$0x90];
	_ =	sdelay $0x4  }
0x72: {  	v63 =	vshll.u32 v3, $0x3  }
0x73: {  	v3 =	vand.u32 $0x7, v3;
	v4 =	vand.u32 $0xFFFFFFC0, v63  }
0x74: {  	v3 =	vor.u32 v3, v4  }
0x75: {  	v4 =	vperm.xlane v3, v0;
	_ =	sdelay $0x1  }
0x76: {  	v4 =	vadd.s32 v1, v4;
	_ =	sdelay $0x4  }
0x77: {  	[hbm4b:s2+s3] =	stream.indirect_vreg.scatter [tilespmem:s22], [sflag:$0x4], $0x80, v4, vm0, $0xb8;
	[tilespmem:$0x10100] =	vst v63  }
0x78: {  	v3 =	vperm.xlane v3, v2  }
0x79: {  	[hbm4b:s4+s3] =	stream.indirect_vreg.scatter [tilespmem:s23], [sflag:$0x4], $0x80, v4, vm0, $0xb8;
	[tilespmem:$0x10100] =	vst v63  }
0x7a: {  	v3 =	vadd.s32 v1, v3  }
0x7b: {  	[hbm4b:s5+s3] =	stream.indirect_vreg.scatter [tilespmem:s24], [sflag:$0x4], $0x80, v4, vm0, $0xb8;
	[tilespmem:$0x10100] =	vst v63  }
0x7c: {  	_ = 	snop  }
0x7d: {  	[hbm4b:s6+s3] =	stream.indirect_vreg.scatter [tilespmem:s25], [sflag:$0x4], $0x80, v4, vm0, $0xb8;
	[tilespmem:$0x10100] =	vst v63  }
0x7e: {  	_ = 	snop  }
0x7f: {  	[hbm4b:s2+s3] =	stream.indirect_vreg.scatter [tilespmem:s26], [sflag:$0x4], $0x80, v3, vm0, $0xb8;
	[tilespmem:$0x10100] =	vst v63  }
0x80: {  	_ = 	snop  }
0x81: {  	[hbm4b:s4+s3] =	stream.indirect_vreg.scatter [tilespmem:s28], [sflag:$0x4], $0x80, v3, vm0, $0xb8;
	[tilespmem:$0x10100] =	vst v63  }
0x82: {  	_ = 	snop  }
0x83: {  	[hbm4b:s5+s3] =	stream.indirect_vreg.scatter [tilespmem:s29], [sflag:$0x4], $0x80, v3, vm0, $0xb8;
	[tilespmem:$0x10100] =	vst v63  }
0x84: {  	_ = 	snop  }
0x85: {  	[hbm4b:s6+s3] =	stream.indirect_vreg.scatter [tilespmem:s30], [sflag:$0x4], $0x80, v3, vm0, $0xb8;
	[tilespmem:$0x10100] =	vst v63  }
0x86: {  	p0 =	sne.s32 s7, $0x1;
	_ =	swait.ge [sflag:s31], $0x8000  }
.Ltmp0:
0x87: {  	[sflag:s31] =	ssyncset.done $0x0;
	(pc) =	sbr.rel @p0 .LBB2_1-.Ltmp0, $4  }
0x88: {  	[sflag:s31] =	ssyncadd.s32 $0xFFFF8000  }
0x89: {  	_ =	swait.ge [sflag:s0], $0x8000  }
0x8a: {  	[sflag:s0] =	ssyncset.done $0x0  }
0x8b: {  	s7 =	sadd.s32 $0xFFFFFFFF, s7;
	[sflag:s0] =	ssyncadd.s32 $0xFFFF8000  }
0x8c: {  	_ =	sfence.sel $0x180000  }
0x8d: {  	[bflag:$0x0] =	sbarrier.arrive $0xFFFF  }
0x8e: {  	_ =	strace $0x90000047  }
0x8f: {  	s0 =	stileid.u32;
	[bflag:$0x2] =	sbarrier.arrive $0xFFFF  }
0x90: {  	p0 =	sne.s32 s0, $0x0;
	s0 =	rddreg [dreg:$0x3]  }
0x91: {  	s0 =	sadd.s32 @!p0 $0x100000, s0  }
0x92: {  	[sflag:s0] =	ssyncadd.tile.s32 @!p0 $0x1;
	_ =	shalt  }
.Lfunc_end2:
_tile_overlayer_lowered:
.L_overlay_start_2:
0x93: {  	(tag) =	ssettag $0x2  }
0x94: {  	s0 =	rddreg [dreg:$0x0];
	s2 =	stileid.u32  }
0x95: {  	s1 =	rddreg [dreg:$0x1];
	p0 =	sne.s32 s2, $0x0  }
0x96: {  	s3 =	rddreg [dreg:$0x2];
	[bflag:$0x3] =	sbarrier.arrive $0xFFFF;
	s2 =	simm.s32 @!p0 $0x1C05  }
0x97: {  	[timem:s3], [sflag:s2] =	dma.local @!p0 [hbm:s0], s1  }
0x98: {  	s0 =	simm.s32 @!p0 $0x5  }
0x99: {  	_ =	swait.ge @!p0 [sflag:s0], s1  }
0x9a: {  	s1 =	ssub.s32 @!p0 $0x0, s1;
	[sflag:s0] =	ssyncset.done @!p0 $0x0  }
0x9b: {  	[sflag:s0] =	ssyncadd.s32 @!p0 s1  }
0x9c: {  	[bflag:$0x3] =	sbarrier.arrive $0xFFFF  }
0x9d: {  	_ =	shalt  }

// kernel: kernel.9.cloned.1.call-start
scs
__scs_entry_jumppad:
0x0: {  	(pc) =	sbr.rel $0x88, $3  }
0x1: {  	(tag) =	ssettag $0x0;
	lr =	simm.s32 $0x1  }
0x2: {  	[smem:$0x3F96] =	sst lr;
	_ =	strace $0xD0000000  }
0x3: {  	_ = 	snop  }
0x4: {  	_ = 	snop  }
0x5: {  	_ = 	snop  }
0x6: {  	_ = 	snop  }
0x7: {  	_ = 	snop  }
__scs_overlays_trampoline_lowered:
0x8: {  	[smem:$0x3FA5] =	sst s0  }
0x9: {  	[smem:$0x3FA6] =	sst s1  }
0xa: {  	[smem:$0x3FA7] =	sst s2  }
0xb: {  	[smem:$0x3FA8] =	sst s3  }
0xc: {  	[smem:$0x3FA9] =	sst s4  }
0xd: {  	[smem:$0x3FAA] =	sst s5  }
0xe: {  	[smem:$0x3FAB] =	sst s6  }
0xf: {  	[smem:$0x3FAC] =	sst s7  }
0x10: {  	[smem:$0x3FAD] =	sst s8  }
0x11: {  	[smem:$0x3FAE] =	sst s9;
	s0 =	simm.s32 @!p0 $0x0  }
0x12: {  	s1 =	sld [smem:$0x3F94];
	s0 =	simm.s32 @p0 $0x1  }
0x13: {  	[smem:$0x3FAF] =	sst s0;
	s0 =	simm.s32 @!p1 $0x0  }
0x14: {  	s2 =	sld [smem:$0x3F93];
	s0 =	simm.s32 @p1 $0x1  }
0x15: {  	[smem:$0x3FB0] =	sst s0;
	s0 =	simm.s32 @!p2 $0x0  }
0x16: {  	s3 =	sld [smem:$0x3FDB];
	s0 =	simm.s32 @p2 $0x1  }
0x17: {  	s4 =	simm.s32 $0x1BF5;
	[smem:$0x3FB2] =	sst s0  }
0x18: {  	s0 =	sld [smem:$0x3F95];
	_ =	swait.ge [sflag:s4], $0x0  }
0x19: {  	s7 =	sld [smem:$0x3F96]  }
0x1a: {  	s8 =	sadd.s32 $0xFFFFE003, lr  }
0x1b: {  	s9 =	sadd.s32 $0xFFFFFEF7, lr;
	s5 =	simm.s32 $0xFFFFFFFF;
	p2 =	slt.u32 s8, $0xFFFFF086  }
0x1c: {  	p1 =	slt.u32 s9, $0xF7A;
	s5 =	simm.s32 @!p2 $0x0  }
0x1d: {  	s5 =	simm.s32 @p1 $0x1;
	p0 =	seq.s32 s7, s2  }
0x1e: {  	s7 =	smul.u32 @!p0 $0xF7A, s2;
	p2 =	seq.s32 @!p0 s5, $0x0  }
0x1f: {  	s9 =	smul.u32 $0xF7A, s1;
	s8 =	simm.s32 @!p0 $0x1BF5;
	p2 =	por !p2, p0  }
0x20: {  	[sflag:s8] =	ssyncset.s32 @!p0 $0xFFFFF086;
	s6 =	sadd.s32 @!p0 s3, s7;
	s7 =	simm.s32 @!p0 $0x108  }
0x21: {  	s3 =	sadd.s32 s3, s9;
	s6 =	sadd.s32 @!p0 $0x88, s6;
	s7 =	simm.s32 @p2 $0x1082  }
0x22: {  	[simem:s7], [sflag:s8] =	dma.local @!p0 [hbm:s6], $0xF7A  }
0x23: {  	s9 =	sor.u32 $0xD0000000, s2;
	s6 =	simm.s32 $0x108;
	_ =	swait.ge @!p0 [sflag:s8], $0x0  }
0x24: {  	s3 =	sadd.s32 $0x88, s3;
	s6 =	simm.s32 @!p1 $0x1082;
	[sflag:s4] =	ssyncset.s32 $0xFFFFF086  }
0x25: {  	[simem:s6], [sflag:s4] =	dma.local [hbm:s3], $0xF7A  }
0x26: {  	[smem:$0x3F96] =	sst s1;
	(tag) =	ssettag s2;
	_ =	strace s9  }
0x27: {  	s1 =	sld [smem:$0x3FA6]  }
0x28: {  	s2 =	sld [smem:$0x3FA7]  }
0x29: {  	s4 =	sld [smem:$0x3FA9]  }
0x2a: {  	p0 =	seq.s32 s5, $0x0;
	s5 =	sld [smem:$0x3FAA]  }
0x2b: {  	s6 =	sld [smem:$0x3FAB]  }
0x2c: {  	s7 =	sld [smem:$0x3FAC]  }
0x2d: {  	s3 =	simm.s32 $0x108;
	s8 =	sld [smem:$0x3FAD]  }
0x2e: {  	s3 =	simm.s32 @!p0 $0x1082;
	s9 =	sld [smem:$0x3FAE]  }
0x2f: {  	lr =	sadd.s32 s0, s3;
	s0 =	sld [smem:$0x3FA5]  }
0x30: {  	s3 =	sld [smem:$0x3FA8]  }
0x31: {  	[smem:$0x3FB1] =	sst s10  }
0x32: {  	s10 =	sld [smem:$0x3FAF];
	_ =	sdelay $0x3  }
0x33: {  	p0 =	seq.s32 s10, $0x1;
	s10 =	sld [smem:$0x3FB1];
	_ =	sdelay $0x3  }
0x34: {  	[smem:$0x3FB1] =	sst s10  }
0x35: {  	s10 =	sld [smem:$0x3FB0];
	_ =	sdelay $0x3  }
0x36: {  	p1 =	seq.s32 s10, $0x1;
	s10 =	sld [smem:$0x3FB1];
	_ =	sdelay $0x3  }
0x37: {  	[smem:$0x3FB1] =	sst s10  }
0x38: {  	s10 =	sld [smem:$0x3FB2]  }
0x39: {  	_ = 	snop;
	(pc) =	sbr.ind lr, $3  }
0x3a: {  	_ = 	snop  }
0x3b: {  	_ = 	snop  }
0x3c: {  	p2 =	seq.s32 s10, $0x1;
	s10 =	sld [smem:$0x3FB1]  }
0x3d: {  	_ =	shalt  }
0x3e: {  	_ =	shalt  }
0x3f: {  	_ =	shalt  }
0x40: {  	_ =	shalt  }
0x41: {  	_ =	shalt  }
0x42: {  	_ =	shalt  }
0x43: {  	_ =	shalt  }
0x44: {  	_ =	shalt  }
0x45: {  	_ =	shalt  }
0x46: {  	_ =	shalt  }
0x47: {  	_ =	shalt  }
0x48: {  	_ =	shalt  }
0x49: {  	_ =	shalt  }
0x4a: {  	_ =	shalt  }
0x4b: {  	_ =	shalt  }
0x4c: {  	_ =	shalt  }
0x4d: {  	_ =	shalt  }
0x4e: {  	_ =	shalt  }
0x4f: {  	_ =	shalt  }
0x50: {  	_ =	shalt  }
0x51: {  	_ =	shalt  }
0x52: {  	_ =	shalt  }
0x53: {  	_ =	shalt  }
0x54: {  	_ =	shalt  }
0x55: {  	_ =	shalt  }
0x56: {  	_ =	shalt  }
0x57: {  	_ =	shalt  }
0x58: {  	_ =	shalt  }
0x59: {  	_ =	shalt  }
0x5a: {  	_ =	shalt  }
0x5b: {  	_ =	shalt  }
0x5c: {  	_ =	shalt  }
0x5d: {  	_ =	shalt  }
0x5e: {  	_ =	shalt  }
0x5f: {  	_ =	shalt  }
0x60: {  	_ =	shalt  }
0x61: {  	_ =	shalt  }
0x62: {  	_ =	shalt  }
0x63: {  	_ =	shalt  }
0x64: {  	_ =	shalt  }
0x65: {  	_ =	shalt  }
0x66: {  	_ =	shalt  }
0x67: {  	_ =	shalt  }
0x68: {  	_ =	shalt  }
0x69: {  	_ =	shalt  }
0x6a: {  	_ =	shalt  }
0x6b: {  	_ =	shalt  }
0x6c: {  	_ =	shalt  }
0x6d: {  	_ =	shalt  }
0x6e: {  	_ =	shalt  }
0x6f: {  	_ =	shalt  }
0x70: {  	_ =	shalt  }
0x71: {  	_ =	shalt  }
0x72: {  	_ =	shalt  }
0x73: {  	_ =	shalt  }
0x74: {  	_ =	shalt  }
0x75: {  	_ =	shalt  }
0x76: {  	_ =	shalt  }
0x77: {  	_ =	shalt  }
0x78: {  	_ =	shalt  }
0x79: {  	_ =	shalt  }
0x7a: {  	_ =	shalt  }
0x7b: {  	_ =	shalt  }
0x7c: {  	_ =	shalt  }
0x7d: {  	_ =	shalt  }
0x7e: {  	_ =	shalt  }
0x7f: {  	_ =	shalt  }
0x80: {  	_ =	shalt  }
0x81: {  	_ =	shalt  }
0x82: {  	_ =	shalt  }
0x83: {  	_ =	shalt  }
0x84: {  	_ =	shalt  }
0x85: {  	_ =	shalt  }
0x86: {  	_ =	shalt  }
0x87: {  	_ =	shalt  }
.Lfunc_end0:
.L_simem_size_0:
called_computation.1_lowered:
.L_overlay_start_0:
0x88: {  	s2 =	sld [smem:$0x3FD9]  }
0x89: {  	s3 =	sld [smem:$0x3FFE];
	_ =	sdelay $0x1  }
0x8a: {  	s1 =	srdreg.scid  }
0x8b: {  	s0 =	sand.u32 $0x1, s1  }
0x8c: {  	s17 =	sshll.u32 s0, $0xA;
	s2 =	sadd.s32 s3, s2  }
0x8d: {  	s2 =	sadd.s32 s2, s17  }
0x8e: {  	[smem:$0x3FBD] =	sst s2  }
0x8f: {  	_ = 	snop  }
0x90: {  	s2 =	sld [smem:$0x3FD0];
	(tm) =	ssettm $0x1  }
0x91: {  	s18 =	sld [smem:$0x3FFB];
	_ =	sdelay $0x3  }
0x92: {  	_ =	strace s18  }
0x93: {  	s3 =	sld [smem:$0x3FFC];
	_ =	sdelay $0x3  }
0x94: {  	_ =	strace s3  }
0x95: {  	s3 =	sld [smem:$0x3FFD];
	_ =	sdelay $0x3  }
0x96: {  	_ =	strace s3  }
0x97: {  	_ =	strace $0x8FFFFFFF  }
0x98: {  	s19 =	sld [smem:$0x3FDB];
	_ =	sdelay $0x1  }
0x99: {  	s4 =	simm.s32 $_scs_section_size  }
0x9a: {  	s5 =	simm.s32 $_size__tile_overlayer_lowered;
	s6 =	simm.s32 $_tile_overlayer_lowered  }
0x9b: {  	s22 =	simm.s32 $0x1BFF;
	s21 =	sshll.u32 s6, $0x1;
	s3 =	sadd.s32 s4, s19  }
0x9c: {  	s7 =	simm.s32 $0x0;
	s20 =	sshll.u32 s5, $0x1;
	s5 =	sadd.s32 s21, s3  }
0x9d: {  	[timem:s7], [sflag:s22] =	dma.local [hbm:s5], s20  }
0x9e: {  	_ =	swait.ge [sflag:s22], s20  }
0x9f: {  	s4 =	ssub.s32 $0x0, s20;
	[sflag:s22] =	ssyncset.done $0x0  }
0xa0: {  	[sflag:s22] =	ssyncadd.s32 s4;
	_ =	sdelay $0x1  }
0xa1: {  	s23 =	simm.s32 $0x1B8B  }
0xa2: {  	_ =	swait.ge [sflag:s23], $0x1  }
0xa3: {  	[sflag:s23] =	ssyncset.done $0x0  }
0xa4: {  	s25 =	simm.s32 $0x1B8E;
	s24 =	sld [smem:$0x3FFE];
	[sflag:s23] =	ssyncadd.s32 $0xFFFFFFFF  }
0xa5: {  	s26 =	simm.s32 $execute0_lowered;
	[smem:$0x3FD2] =	sst s25  }
0xa6: {  	s5 =	sshll.u32 s26, $0x1;
	_ =	strace $0x80000049;
	[dreg:$0x1] =	wrdreg $0xFFFFFFFF  }
0xa7: {  	s28 =	simm.s32 $_size_execute0_lowered;
	s3 =	sadd.s32 s3, s5;
	[dreg:$0x0] =	wrdreg $0x0  }
0xa8: {  	s5 =	sshll.u32 s28, $0x1;
	[dreg:$0x2] =	wrdreg s3  }
0xa9: {  	[dreg:$0x3] =	wrdreg s5  }
0xaa: {  	[dreg:$0x4] =	wrdreg $0xC0  }
0xab: {  	_ =	task [dreg:s7], $0x5FFFF  }
0xac: {  	[dreg:$0x1] =	wrdreg $0xFFFFFFFF  }
0xad: {  	[dreg:$0x0] =	wrdreg $0x60  }
0xae: {  	[dreg:$0x2] =	wrdreg s24  }
0xaf: {  	[dreg:$0x3] =	wrdreg s2  }
0xb0: {  	[dreg:$0x4] =	wrdreg $0x9  }
0xb1: {  	_ =	task.clear_ibuf [dreg:s7], $0x5FFFF;
	_ =	strace $0x90000049  }
0xb2: {  	s29 =	simm.s32 $0x9;
	_ =	strace $0x8000004B  }
0xb3: {  	_ =	swait.ge [sflag:s29], $0x1  }
0xb4: {  	[sflag:s29] =	ssyncadd.s32 $0xFFFFFFFF  }
0xb5: {  	_ =	strace $0x9000004B  }
0xb6: {  	_ =	sfence  }
0xb7: {  	s30 =	sld [smem:$0x0];
	_ =	sdelay $0x2  }
0xb8: {  	s31 =	sshll.u32 s1, $0xD;
	s1 =	sshrl.u32 s1, $0x2  }
0xb9: {  	s3 =	sand.u32 $0x4000, s31;
	s1 =	sadd.s32 s1, s30  }
0xba: {  	s0 =	sor.u32 s3, s0;
	s1 =	sshll.u32 s1, $0x11  }
0xbb: {  	s0 =	sor.u32 s1, s0  }
0xbc: {  	s0 =	sadd.s32 $0x8F2B, s0  }
0xbd: {  	[sflag:s0] =	ssyncadd.remote.s32 $0x1  }
0xbe: {  	_ =	sfence.sel $0xFFFF  }
0xbf: {  	[dreg:$0x0] =	wrdreg $0xFFFFFFFF;
	(pc) =	sbr.abs _section_cstart, $3  }
0xc0: {  	[dreg:$0x1] =	wrdreg $0xFFFFFFFF  }
0xc1: {  	_ =	task.clear_ibuf [dreg:s7], $0x2FFFF;
	_ =	strace $0x9FFFFFFF  }
0xc2: {  	(tm) =	ssettm $0x7FFFFFFF  }
0xc3: {  	_ =	shalt  }
tec
execute0_lowered:
.L_overlay_start_1:
0x0: {  	(tag) =	ssettag $0x1  }
0x1: {  	s0 =	rddreg [dreg:$0x0];
	s2 =	srdreg.scid  }
0x2: {  	s3 =	rddreg [dreg:$0x1];
	s4 =	sand.u32 $0x1, s2;
	s2 =	simm.s32 $0x0  }
0x3: {  	s11 =	simm.s32 $0x80;
	[smem:$0x7FF] =	sst s2  }
0x4: {  	s12 =	simm.s32 $0x900;
	_ =	strace $0x8000004A;
	[dreg:$0x7] =	wrdreg s11  }
0x5: {  	s13 =	simm.s32 $0x1100;
	[dreg:$0x8] =	wrdreg s12  }
0x6: {  	s1 =	stileid.u32;
	s14 =	simm.s32 $0x1900;
	[dreg:$0x9] =	wrdreg s13  }
0x7: {  	s15 =	simm.s32 $0x2100;
	s16 =	simm.s32 $0x2900;
	[dreg:$0xa] =	wrdreg s14  }
0x8: {  	s17 =	simm.s32 $0x3100;
	s19 =	simm.s32 $0x3900;
	[dreg:$0xb] =	wrdreg s15  }
0x9: {  	s21 =	simm.s32 $0x4100;
	s22 =	simm.s32 $0x4900;
	[dreg:$0xc] =	wrdreg s16  }
0xa: {  	s23 =	simm.s32 $0x5100;
	s24 =	simm.s32 $0x5900;
	[dreg:$0xd] =	wrdreg s17  }
0xb: {  	s25 =	simm.s32 $0x6100;
	s26 =	simm.s32 $0x6900;
	[dreg:$0xe] =	wrdreg s19  }
0xc: {  	s28 =	simm.s32 $0xF900;
	s29 =	simm.s32 $0x1;
	[dreg:$0xf] =	wrdreg s21  }
0xd: {  	s30 =	simm.s32 $0x2;
	s31 =	simm.s32 $0x3;
	[dreg:$0x10] =	wrdreg s22  }
0xe: {  	s5 =	sshll.u32 s1, $0x7;
	s1 =	sadd.s32 $0x1C00, s0;
	[dreg:$0x11] =	wrdreg s23  }
0xf: {  	s6 =	sshll.u32 s4, $0x6;
	s4 =	ssub.s32 $0x2, s4;
	[dreg:$0x12] =	wrdreg s24  }
0x10: {  	s5 =	sor.u32 s6, s5;
	s18 =	sshrl.u32 s4, $0x1;
	[dreg:$0x13] =	wrdreg s25  }
0x11: {  	[dreg:$0x14] =	wrdreg s26;
	s11 =	simm.s32 $0x7900;
	s12 =	simm.s32 $0x8100  }
0x12: {  	s13 =	simm.s32 $0x8900;
	s14 =	simm.s32 $0x9100;
	s15 =	simm.s32 $0x9900  }
0x13: {  	s16 =	simm.s32 $0xA100;
	s17 =	simm.s32 $0xA900;
	s19 =	simm.s32 $0xB900  }
0x14: {  	s21 =	simm.s32 $0xC900;
	s22 =	simm.s32 $0xD100;
	s23 =	simm.s32 $0xD900  }
0x15: {  	s24 =	simm.s32 $0xE100;
	s25 =	simm.s32 $0xE900;
	s26 =	simm.s32 $0xF100  }
0x16: {  	s7 =	sshrl.u32 s5, $0x3;
	s8 =	sor.u32 $0x20, s5;
	s5 =	sshll.u32 s5, $0x7  }
0x17: {  	s20 =	ssub.s32 s4, s18;
	s4 =	sadd.s32 $0x1F00, s0;
	s18 =	simm.s32 $0xB100  }
0x18: {  	s7 =	sadd.s32 s1, s7;
	s9 =	sshrl.u32 s8, $0x3;
	s5 =	sadd.s32 s3, s5  }
0x19: {  	s10 =	sshll.u32 s8, $0x7;
	s8 =	simm.s32 $0x5;
	[dreg:$0x3] =	wrdreg s7  }
0x1a: {  	s6 =	sadd.s32 s1, s9;
	[dreg:$0x5] =	wrdreg s5;
	s3 =	sadd.s32 s3, s10  }
0x1b: {  	v2 =	vlaneseq.u32;
	s5 =	sadd.s32 $0x2000, s0;
	s7 =	smax.u32 s20, $0x1;
	[dreg:$0x4] =	wrdreg s6  }
0x1c: {  	vm0 =	vmmov $0xffff;
	v1 =	vshrl.u32 v2, $0x3;
	s9 =	simm.s32 $0x100;
	s20 =	simm.s32 $0xC100;
	[dreg:$0x6] =	wrdreg s3  }
0x1d: {  	v0 =	vand.u32 $0x7, v2;
	v2 =	vor.u32 $0x8, v2;
	v1 =	vmul.u32 $0x8, v1;
	s3 =	sadd.s32 $0x1E00, s0;
	s6 =	sadd.s32 $0x2100, s0;
	s0 =	simm.s32 $0x4  }
.LBB2_1:
0x1e: {  	s1 =	rddreg [dreg:$0x3]  }
0x1f: {  	[tilespmem:s2], [sflag:$0x5] =	stream.linear.gather [hbm4b:s1+s2], $0x20, $0x38;
	[tilespmem:$0x10100] =	vst v63  }
0x20: {  	_ =	swait.ge [sflag:s8], $0x20  }
0x21: {  	s1 =	rddreg [dreg:$0x4];
	[sflag:s8] =	ssyncset.done $0x0  }
0x22: {  	s10 =	rddreg [dreg:$0x7];
	[sflag:s8] =	ssyncadd.s32 $0xFFFFFFE0  }
0x23: {  	[tilespmem:s10], [sflag:$0x5] =	stream.linear.gather [hbm4b:s1+s2], $0x20, $0x38;
	[tilespmem:$0x10100] =	vst v63  }
0x24: {  	_ =	swait.ge [sflag:s8], $0x20  }
0x25: {  	[sflag:s8] =	ssyncset.done $0x0  }
0x26: {  	[sflag:s8] =	ssyncadd.s32 $0xFFFFFFE0  }
0x27: {  	v3 =	vld [tilespmem:$0x0];
	_ =	sdelay $0x4  }
0x28: {  	v4 =	vshll.u32 v3, $0x3  }
0x29: {  	v3 =	vand.u32 $0x7, v3;
	v4 =	vand.u32 $0xFFFFFFC0, v4  }
0x2a: {  	v3 =	vor.u32 v3, v4  }
0x2b: {  	v4 =	vperm.xlane v3, v0;
	_ =	sdelay $0x1  }
0x2c: {  	v4 =	vadd.s32 v1, v4;
	_ =	sdelay $0x4  }
0x2d: {  	[tilespmem:s9], [sflag:$0x1] =	stream.indirect_vreg.gather [hbm4b:s3+s2], $0x80, v4, vm0, $0xb8;
	[tilespmem:$0x10100] =	vst v63  }
0x2e: {  	s1 =	rddreg [dreg:$0x8];
	v3 =	vperm.xlane v3, v2  }
0x2f: {  	[tilespmem:s1], [sflag:$0x1] =	stream.indirect_vreg.gather [hbm4b:s4+s2], $0x80, v4, vm0, $0xb8;
	[tilespmem:$0x10100] =	vst v63  }
0x30: {  	s10 =	rddreg [dreg:$0x9];
	v3 =	vadd.s32 v1, v3  }
0x31: {  	[tilespmem:s10], [sflag:$0x1] =	stream.indirect_vreg.gather [hbm4b:s5+s2], $0x80, v4, vm0, $0xb8;
	[tilespmem:$0x10100] =	vst v63  }
0x32: {  	s1 =	rddreg [dreg:$0xa]  }
0x33: {  	[tilespmem:s1], [sflag:$0x1] =	stream.indirect_vreg.gather [hbm4b:s6+s2], $0x80, v4, vm0, $0xb8;
	[tilespmem:$0x10100] =	vst v63  }
0x34: {  	s10 =	rddreg [dreg:$0xb]  }
0x35: {  	[tilespmem:s10], [sflag:$0x1] =	stream.indirect_vreg.gather [hbm4b:s3+s2], $0x80, v3, vm0, $0xb8;
	[tilespmem:$0x10100] =	vst v63  }
0x36: {  	s1 =	rddreg [dreg:$0xc]  }
0x37: {  	[tilespmem:s1], [sflag:$0x1] =	stream.indirect_vreg.gather [hbm4b:s4+s2], $0x80, v3, vm0, $0xb8;
	[tilespmem:$0x10100] =	vst v63  }
0x38: {  	s10 =	rddreg [dreg:$0xd]  }
0x39: {  	[tilespmem:s10], [sflag:$0x1] =	stream.indirect_vreg.gather [hbm4b:s5+s2], $0x80, v3, vm0, $0xb8;
	[tilespmem:$0x10100] =	vst v63  }
0x3a: {  	s1 =	rddreg [dreg:$0xe]  }
0x3b: {  	[tilespmem:s1], [sflag:$0x1] =	stream.indirect_vreg.gather [hbm4b:s6+s2], $0x80, v3, vm0, $0xb8;
	[tilespmem:$0x10100] =	vst v63  }
0x3c: {  	v3 =	vld [tilespmem:$0x10];
	_ =	sdelay $0x4  }
0x3d: {  	v61 =	vshll.u32 v3, $0x3  }
0x3e: {  	v3 =	vand.u32 $0x7, v3;
	v4 =	vand.u32 $0xFFFFFFC0, v61  }
0x3f: {  	v3 =	vor.u32 v3, v4  }
0x40: {  	v4 =	vperm.xlane v3, v0;
	_ =	sdelay $0x1  }
0x41: {  	v4 =	vadd.s32 v1, v4;
	_ =	sdelay $0x3  }
0x42: {  	s1 =	rddreg [dreg:$0xf]  }
0x43: {  	[tilespmem:s1], [sflag:$0x1] =	stream.indirect_vreg.gather [hbm4b:s3+s2], $0x80, v4, vm0, $0xb8;
	[tilespmem:$0x10100] =	vst v63  }
0x44: {  	s10 =	rddreg [dreg:$0x10];
	v3 =	vperm.xlane v3, v2  }
0x45: {  	[tilespmem:s10], [sflag:$0x1] =	stream.indirect_vreg.gather [hbm4b:s4+s2], $0x80, v4, vm0, $0xb8;
	[tilespmem:$0x10100] =	vst v63  }
0x46: {  	v3 =	vadd.s32 v1, v3;
	s1 =	rddreg [dreg:$0x11]  }
0x47: {  	[tilespmem:s1], [sflag:$0x1] =	stream.indirect_vreg.gather [hbm4b:s5+s2], $0x80, v4, vm0, $0xb8;
	[tilespmem:$0x10100] =	vst v63  }
0x48: {  	s10 =	rddreg [dreg:$0x12]  }
0x49: {  	[tilespmem:s10], [sflag:$0x1] =	stream.indirect_vreg.gather [hbm4b:s6+s2], $0x80, v4, vm0, $0xb8;
	[tilespmem:$0x10100] =	vst v63  }
0x4a: {  	s1 =	rddreg [dreg:$0x13]  }
0x4b: {  	[tilespmem:s1], [sflag:$0x1] =	stream.indirect_vreg.gather [hbm4b:s3+s2], $0x80, v3, vm0, $0xb8;
	[tilespmem:$0x10100] =	vst v63  }
0x4c: {  	s10 =	rddreg [dreg:$0x14]  }
0x4d: {  	[tilespmem:s10], [sflag:$0x1] =	stream.indirect_vreg.gather [hbm4b:s4+s2], $0x80, v3, vm0, $0xb8;
	[tilespmem:$0x10100] =	vst v63  }
0x4e: {  	s10 =	simm.s32 $0x7100  }
0x4f: {  	[tilespmem:s10], [sflag:$0x1] =	stream.indirect_vreg.gather [hbm4b:s5+s2], $0x80, v3, vm0, $0xb8;
	[tilespmem:$0x10100] =	vst v63  }
0x50: {  	_ = 	snop  }
0x51: {  	[tilespmem:s11], [sflag:$0x1] =	stream.indirect_vreg.gather [hbm4b:s6+s2], $0x80, v3, vm0, $0xb8;
	[tilespmem:$0x10100] =	vst v63  }
0x52: {  	v3 =	vld [tilespmem:$0x80];
	_ =	sdelay $0x4  }
0x53: {  	v62 =	vshll.u32 v3, $0x3  }
0x54: {  	v3 =	vand.u32 $0x7, v3;
	v4 =	vand.u32 $0xFFFFFFC0, v62  }
0x55: {  	v3 =	vor.u32 v3, v4  }
0x56: {  	v4 =	vperm.xlane v3, v0;
	_ =	sdelay $0x1  }
0x57: {  	v4 =	vadd.s32 v1, v4;
	_ =	sdelay $0x4  }
0x58: {  	[tilespmem:s12], [sflag:$0x2] =	stream.indirect_vreg.gather [hbm4b:s3+s2], $0x80, v4, vm0, $0xb8;
	[tilespmem:$0x10100] =	vst v63  }
0x59: {  	v3 =	vperm.xlane v3, v2  }
0x5a: {  	[tilespmem:s13], [sflag:$0x2] =	stream.indirect_vreg.gather [hbm4b:s4+s2], $0x80, v4, vm0, $0xb8;
	[tilespmem:$0x10100] =	vst v63  }
0x5b: {  	v3 =	vadd.s32 v1, v3  }
0x5c: {  	[tilespmem:s14], [sflag:$0x2] =	stream.indirect_vreg.gather [hbm4b:s5+s2], $0x80, v4, vm0, $0xb8;
	[tilespmem:$0x10100] =	vst v63  }
0x5d: {  	_ = 	snop  }
0x5e: {  	[tilespmem:s15], [sflag:$0x2] =	stream.indirect_vreg.gather [hbm4b:s6+s2], $0x80, v4, vm0, $0xb8;
	[tilespmem:$0x10100] =	vst v63  }
0x5f: {  	_ = 	snop  }
0x60: {  	[tilespmem:s16], [sflag:$0x2] =	stream.indirect_vreg.gather [hbm4b:s3+s2], $0x80, v3, vm0, $0xb8;
	[tilespmem:$0x10100] =	vst v63  }
0x61: {  	_ = 	snop  }
0x62: {  	[tilespmem:s17], [sflag:$0x2] =	stream.indirect_vreg.gather [hbm4b:s4+s2], $0x80, v3, vm0, $0xb8;
	[tilespmem:$0x10100] =	vst v63  }
0x63: {  	_ = 	snop  }
0x64: {  	[tilespmem:s18], [sflag:$0x2] =	stream.indirect_vreg.gather [hbm4b:s5+s2], $0x80, v3, vm0, $0xb8;
	[tilespmem:$0x10100] =	vst v63  }
0x65: {  	_ = 	snop  }
0x66: {  	[tilespmem:s19], [sflag:$0x2] =	stream.indirect_vreg.gather [hbm4b:s6+s2], $0x80, v3, vm0, $0xb8;
	[tilespmem:$0x10100] =	vst v63  }
0x67: {  	v3 =	vld [tilespmem:$0x90];
	_ =	sdelay $0x4  }
0x68: {  	v63 =	vshll.u32 v3, $0x3  }
0x69: {  	v3 =	vand.u32 $0x7, v3;
	v4 =	vand.u32 $0xFFFFFFC0, v63  }
0x6a: {  	v3 =	vor.u32 v3, v4  }
0x6b: {  	v4 =	vperm.xlane v3, v0;
	_ =	sdelay $0x1  }
0x6c: {  	v4 =	vadd.s32 v1, v4;
	_ =	sdelay $0x4  }
0x6d: {  	[tilespmem:s20], [sflag:$0x2] =	stream.indirect_vreg.gather [hbm4b:s3+s2], $0x80, v4, vm0, $0xb8;
	[tilespmem:$0x10100] =	vst v63  }
0x6e: {  	v3 =	vperm.xlane v3, v2  }
0x6f: {  	[tilespmem:s21], [sflag:$0x2] =	stream.indirect_vreg.gather [hbm4b:s4+s2], $0x80, v4, vm0, $0xb8;
	[tilespmem:$0x10100] =	vst v63  }
0x70: {  	v3 =	vadd.s32 v1, v3  }
0x71: {  	[tilespmem:s22], [sflag:$0x2] =	stream.indirect_vreg.gather [hbm4b:s5+s2], $0x80, v4, vm0, $0xb8;
	[tilespmem:$0x10100] =	vst v63  }
0x72: {  	_ = 	snop  }
0x73: {  	[tilespmem:s23], [sflag:$0x2] =	stream.indirect_vreg.gather [hbm4b:s6+s2], $0x80, v4, vm0, $0xb8;
	[tilespmem:$0x10100] =	vst v63  }
0x74: {  	_ = 	snop  }
0x75: {  	[tilespmem:s24], [sflag:$0x2] =	stream.indirect_vreg.gather [hbm4b:s3+s2], $0x80, v3, vm0, $0xb8;
	[tilespmem:$0x10100] =	vst v63  }
0x76: {  	_ = 	snop  }
0x77: {  	[tilespmem:s25], [sflag:$0x2] =	stream.indirect_vreg.gather [hbm4b:s4+s2], $0x80, v3, vm0, $0xb8;
	[tilespmem:$0x10100] =	vst v63  }
0x78: {  	_ = 	snop  }
0x79: {  	[tilespmem:s26], [sflag:$0x2] =	stream.indirect_vreg.gather [hbm4b:s5+s2], $0x80, v3, vm0, $0xb8;
	[tilespmem:$0x10100] =	vst v63  }
0x7a: {  	_ = 	snop  }
0x7b: {  	[tilespmem:s28], [sflag:$0x2] =	stream.indirect_vreg.gather [hbm4b:s6+s2], $0x80, v3, vm0, $0xb8;
	[tilespmem:$0x10100] =	vst v63  }
0x7c: {  	_ =	swait.ge [sflag:s29], $0x8000  }
0x7d: {  	[sflag:s29] =	ssyncset.done $0x0  }
0x7e: {  	s10 =	rddreg [dreg:$0x5];
	[sflag:s29] =	ssyncadd.s32 $0xFFFF8000  }
0x7f: {  	[hbm4b:s10+s2] =	stream.linear.scatter [tilespmem:s9], [sflag:$0x3], $0x8000, $0x38;
	[tilespmem:$0x10100] =	vst v63  }
0x80: {  	_ =	swait.ge [sflag:s30], $0x8000  }
0x81: {  	[sflag:s30] =	ssyncset.done $0x0  }
0x82: {  	s10 =	rddreg [dreg:$0x6];
	[sflag:s30] =	ssyncadd.s32 $0xFFFF8000  }
0x83: {  	[hbm4b:s10+s2] =	stream.linear.scatter [tilespmem:s12], [sflag:$0x4], $0x8000, $0x38;
	[tilespmem:$0x10100] =	vst v63  }
0x84: {  	p0 =	sne.s32 s7, $0x1;
	_ =	swait.ge [sflag:s31], $0x8000  }
.Ltmp0:
0x85: {  	[sflag:s31] =	ssyncset.done $0x0;
	(pc) =	sbr.rel @p0 .LBB2_1-.Ltmp0, $4  }
0x86: {  	[sflag:s31] =	ssyncadd.s32 $0xFFFF8000  }
0x87: {  	_ =	swait.ge [sflag:s0], $0x8000  }
0x88: {  	[sflag:s0] =	ssyncset.done $0x0  }
0x89: {  	s7 =	sadd.s32 $0xFFFFFFFF, s7;
	[sflag:s0] =	ssyncadd.s32 $0xFFFF8000  }
0x8a: {  	_ =	sfence.sel $0x180000  }
0x8b: {  	[bflag:$0x0] =	sbarrier.arrive $0xFFFF  }
0x8c: {  	_ =	strace $0x9000004A  }
0x8d: {  	s0 =	stileid.u32;
	[bflag:$0x2] =	sbarrier.arrive $0xFFFF  }
0x8e: {  	p0 =	sne.s32 s0, $0x0;
	s0 =	rddreg [dreg:$0x2]  }
0x8f: {  	s0 =	sadd.s32 @!p0 $0x100000, s0  }
0x90: {  	[sflag:s0] =	ssyncadd.tile.s32 @!p0 $0x1;
	_ =	shalt  }
.Lfunc_end2:
_tile_overlayer_lowered:
.L_overlay_start_2:
0x91: {  	(tag) =	ssettag $0x2  }
0x92: {  	s0 =	rddreg [dreg:$0x0];
	s2 =	stileid.u32  }
0x93: {  	s1 =	rddreg [dreg:$0x1];
	p0 =	sne.s32 s2, $0x0  }
0x94: {  	s3 =	rddreg [dreg:$0x2];
	[bflag:$0x3] =	sbarrier.arrive $0xFFFF;
	s2 =	simm.s32 @!p0 $0x1C05  }
0x95: {  	[timem:s3], [sflag:s2] =	dma.local @!p0 [hbm:s0], s1  }
0x96: {  	s0 =	simm.s32 @!p0 $0x5  }
0x97: {  	_ =	swait.ge @!p0 [sflag:s0], s1  }
0x98: {  	s1 =	ssub.s32 @!p0 $0x0, s1;
	[sflag:s0] =	ssyncset.done @!p0 $0x0  }
0x99: {  	[sflag:s0] =	ssyncadd.s32 @!p0 s1  }
0x9a: {  	[bflag:$0x3] =	sbarrier.arrive $0xFFFF  }
0x9b: {  	_ =	shalt  }

</sc_bundles>
